<compile_context>
chip_gen: v7x
topology: tpu7x:2x2x1
jax: 0.10.2.dev20260603
libtpu: 0.0.44.dev20260713+nightly
codegen_flags: <defaults>
</compile_context>

<pallas_src>
import functools

import jax
import jax.numpy as jnp
from jax import lax
from jax.experimental import pallas as pl
from jax.experimental.pallas import tpu as pltpu
from jax.experimental.pallas import tpu_sc as plsc

_VOCAB = 1000
_EMB = 64
_BATCH = 16384
_NC = 2
_NS = 16
_NW = _NC * _NS
_B_PER_W = _BATCH // _NW


_NCHUNK = 8
_CHUNK = _B_PER_W // _NCHUNK


@functools.lru_cache(maxsize=1)
def _build_gather():
    mesh = plsc.VectorSubcoreMesh(core_axis_name="c", subcore_axis_name="s")

    @functools.partial(
        pl.kernel,
        mesh=mesh,
        out_type=jax.ShapeDtypeStruct((_BATCH, _EMB), jnp.float32),
        scratch_types=[
            pltpu.VMEM((_B_PER_W,), jnp.int32),
            pltpu.VMEM((_B_PER_W, _EMB), jnp.float32),
            [pltpu.SemaphoreType.DMA] * _NCHUNK,
            pltpu.SemaphoreType.DMA,
        ],
        compiler_params=pltpu.CompilerParams(use_tc_tiling_on_sc=False),
    )
    def gather(idx_hbm, table_hbm, out_hbm, idx_v, rows_v, gsems, wsem):
        wid = lax.axis_index("s") * _NC + lax.axis_index("c")
        base = wid * _B_PER_W
        pltpu.sync_copy(idx_hbm.at[pl.ds(base, _B_PER_W)], idx_v)
        gathers = []
        for j in range(_NCHUNK):
            gathers.append(pltpu.async_copy(
                table_hbm.at[idx_v.at[pl.ds(j * _CHUNK, _CHUNK)]],
                rows_v.at[pl.ds(j * _CHUNK, _CHUNK)],
                gsems[j],
            ))
        writes = []
        for j in range(_NCHUNK):
            gathers[j].wait()
            writes.append(pltpu.async_copy(
                rows_v.at[pl.ds(j * _CHUNK, _CHUNK)],
                out_hbm.at[pl.ds(base + j * _CHUNK, _CHUNK)],
                wsem,
            ))
        for w in writes:
            w.wait()

    return gather


def kernel(constants, table):
    idx = constants if constants.dtype == jnp.int32 else constants.astype(jnp.int32)
    out = _build_gather()(idx, table)
    return out.reshape(1, -1)

# --- scband reference (transcript-rebuilt; emitter-appended) ---
"""Pipeline reference for scband-gconstants-48326972014794 (READ-ONLY COPY).

The authoritative reference and input builder live on the scoring server;
editing this copy changes nothing except your own understanding.
"""

import jax, jax.numpy as jnp
import numpy as np

VOCAB = 1000
EMB_DIM = 64
BATCH = 16384

def setup_inputs(seed: int = 0) -> dict:
    key = jax.random.key(seed)
    k1, k2 = jax.random.split(key)
    # symbols are ints 0..VOCAB-1 so symbol2id is the identity mapping;
    # the forward's python-dict lookup reduces to using the ids directly
    constants = jax.random.randint(k1, (BATCH,), 0, VOCAB)
    # nn.Embedding weight, N(0,1) init like torch default
    table = jax.random.normal(k2, (VOCAB, EMB_DIM), dtype=jnp.float32)
    return {"constants": constants, "table": table}

def reference(constants, table):
    # embs = self.embeddings(LongTensor(constant_id))  -> gather rows
    embs = jnp.take(table, constants, axis=0)
    # torch.cat(embs).view(1, -1): concatenation of the per-symbol rows
    # flattened into a single [1, B*emb_dim] row vector
    return embs.reshape(1, -1)

if __name__ == "__main__":
    import jax
    _d = setup_inputs()
    print(jax.jit(kernel)(*tuple(_d.values())))

</pallas_src>

<mosaic_0001>
#map = affine_map<(d0, d1) -> (0)>
#map1 = affine_map<(d0, d1) -> (0, 0)>
module attributes {stable_mosaic.version = 14 : i64} {
  func.func @gather(%arg0: i32, %arg1: i32, %arg2: memref<16384xi32, #tpu.memory_space<hbm>>, %arg3: memref<1000x64xf32, #tpu.memory_space<hbm>>, %arg4: memref<16384x64xf32, #tpu.memory_space<hbm>>, %arg5: memref<512xi32, #tpu.memory_space<vmem>>, %arg6: memref<512x64xf32, #tpu.memory_space<vmem>>, %arg7: memref<!tpu.dma_semaphore, #tpu.memory_space<semaphore_mem>>, %arg8: memref<!tpu.dma_semaphore, #tpu.memory_space<semaphore_mem>>, %arg9: memref<!tpu.dma_semaphore, #tpu.memory_space<semaphore_mem>>, %arg10: memref<!tpu.dma_semaphore, #tpu.memory_space<semaphore_mem>>, %arg11: memref<!tpu.dma_semaphore, #tpu.memory_space<semaphore_mem>>, %arg12: memref<!tpu.dma_semaphore, #tpu.memory_space<semaphore_mem>>, %arg13: memref<!tpu.dma_semaphore, #tpu.memory_space<semaphore_mem>>, %arg14: memref<!tpu.dma_semaphore, #tpu.memory_space<semaphore_mem>>, %arg15: memref<!tpu.dma_semaphore, #tpu.memory_space<semaphore_mem>>) attributes {dimension_semantics = [#tpu.dimension_semantics<core_parallel>, #tpu.dimension_semantics<subcore_parallel>], iteration_bounds = array<i64: 2, 16>, scalar_prefetch = 0 : i64, scratch_operands = 11 : i64, tpu.core_type = #tpu.core_type<sc_vector_subcore>, window_params = [{transform_indices = #map}, {transform_indices = #map1}, {transform_indices = #map1}]} {
    %mul3A = arith.constant 2 : i32
    %mul3A_0 = arith.muli %arg1, %mul3A : i32
    %add3A = arith.addi %mul3A_0, %arg0 : i32
    %mul3A_1 = arith.constant 512 : i32
    %mul3A_2 = arith.muli %add3A, %mul3A_1 : i32
    "tpu.region"() ({
      %run_scoped3A = tpu.sem_alloc : memref<!tpu.dma_semaphore, #tpu.memory_space<semaphore_mem>>
      %dma_start3A_305 = tpu.memref_slice %arg2[%mul3A_2] : memref<16384xi32, #tpu.memory_space<hbm>> -> memref<512xi32, #tpu.memory_space<hbm>>
      %dma_start3A_306 = tpu.memref_slice %arg2[%mul3A_2] : memref<16384xi32, #tpu.memory_space<hbm>> -> memref<512xi32, #tpu.memory_space<hbm>>
      tpu.enqueue_dma source(%dma_start3A_306 : memref<512xi32, #tpu.memory_space<hbm>>) target(%arg5 : memref<512xi32, #tpu.memory_space<vmem>>) target_semaphore(%run_scoped3A : memref<!tpu.dma_semaphore, #tpu.memory_space<semaphore_mem>>)
      %dma_wait3A_307 = tpu.memref_slice %arg2[%mul3A_2] : memref<16384xi32, #tpu.memory_space<hbm>> -> memref<512xi32, #tpu.memory_space<hbm>>
      %dma_wait3A_308 = tpu.memref_slice %arg2[%mul3A_2] : memref<16384xi32, #tpu.memory_space<hbm>> -> memref<512xi32, #tpu.memory_space<hbm>>
      tpu.wait_dma2 semaphore(%run_scoped3A : memref<!tpu.dma_semaphore, #tpu.memory_space<semaphore_mem>>) src(%dma_wait3A_308 : memref<512xi32, #tpu.memory_space<hbm>>) dst(%arg5 : memref<512xi32, #tpu.memory_space<vmem>>)
      tpu.yield
    }) : () -> ()
    %dma_start3A = arith.constant 0 : i32
    %dma_start3A_3 = arith.constant 0 : i32
    %dma_start3A_4 = tpu.memref_slice %arg6[%dma_start3A, %dma_start3A_3] : memref<512x64xf32, #tpu.memory_space<vmem>> -> memref<64x64xf32, #tpu.memory_space<vmem>>
    %dma_start3A_5 = arith.constant 0 : i32
    %dma_start3A_6 = tpu.memref_slice %arg5[%dma_start3A_5] : memref<512xi32, #tpu.memory_space<vmem>> -> memref<64xi32, #tpu.memory_space<vmem>>
    %dma_start3A_7 = arith.constant 0 : i32
    %dma_start3A_8 = arith.constant 0 : i32
    %dma_start3A_9 = tpu.memref_slice %arg3[%dma_start3A_7, %dma_start3A_8] : memref<1000x64xf32, #tpu.memory_space<hbm>> -> memref<1000x64xf32, #tpu.memory_space<hbm>>
    tpu.enqueue_indirect_dma source(%dma_start3A_9 : memref<1000x64xf32, #tpu.memory_space<hbm>>) target(%dma_start3A_4 : memref<64x64xf32, #tpu.memory_space<vmem>>) offsets(%dma_start3A_6 : memref<64xi32, #tpu.memory_space<vmem>>) semaphore(%arg7 : memref<!tpu.dma_semaphore, #tpu.memory_space<semaphore_mem>>)
    %dma_start3A_10 = arith.constant 64 : i32
    %dma_start3A_11 = arith.constant 0 : i32
    %dma_start3A_12 = tpu.memref_slice %arg6[%dma_start3A_10, %dma_start3A_11] : memref<512x64xf32, #tpu.memory_space<vmem>> -> memref<64x64xf32, #tpu.memory_space<vmem>>
    %dma_start3A_13 = arith.constant 64 : i32
    %dma_start3A_14 = tpu.memref_slice %arg5[%dma_start3A_13] : memref<512xi32, #tpu.memory_space<vmem>> -> memref<64xi32, #tpu.memory_space<vmem>>
    %dma_start3A_15 = arith.constant 0 : i32
    %dma_start3A_16 = arith.constant 0 : i32
    %dma_start3A_17 = tpu.memref_slice %arg3[%dma_start3A_15, %dma_start3A_16] : memref<1000x64xf32, #tpu.memory_space<hbm>> -> memref<1000x64xf32, #tpu.memory_space<hbm>>
    tpu.enqueue_indirect_dma source(%dma_start3A_17 : memref<1000x64xf32, #tpu.memory_space<hbm>>) target(%dma_start3A_12 : memref<64x64xf32, #tpu.memory_space<vmem>>) offsets(%dma_start3A_14 : memref<64xi32, #tpu.memory_space<vmem>>) semaphore(%arg8 : memref<!tpu.dma_semaphore, #tpu.memory_space<semaphore_mem>>)
    %dma_start3A_18 = arith.constant 128 : i32
    %dma_start3A_19 = arith.constant 0 : i32
    %dma_start3A_20 = tpu.memref_slice %arg6[%dma_start3A_18, %dma_start3A_19] : memref<512x64xf32, #tpu.memory_space<vmem>> -> memref<64x64xf32, #tpu.memory_space<vmem>>
    %dma_start3A_21 = arith.constant 128 : i32
    %dma_start3A_22 = tpu.memref_slice %arg5[%dma_start3A_21] : memref<512xi32, #tpu.memory_space<vmem>> -> memref<64xi32, #tpu.memory_space<vmem>>
    %dma_start3A_23 = arith.constant 0 : i32
    %dma_start3A_24 = arith.constant 0 : i32
    %dma_start3A_25 = tpu.memref_slice %arg3[%dma_start3A_23, %dma_start3A_24] : memref<1000x64xf32, #tpu.memory_space<hbm>> -> memref<1000x64xf32, #tpu.memory_space<hbm>>
    tpu.enqueue_indirect_dma source(%dma_start3A_25 : memref<1000x64xf32, #tpu.memory_space<hbm>>) target(%dma_start3A_20 : memref<64x64xf32, #tpu.memory_space<vmem>>) offsets(%dma_start3A_22 : memref<64xi32, #tpu.memory_space<vmem>>) semaphore(%arg9 : memref<!tpu.dma_semaphore, #tpu.memory_space<semaphore_mem>>)
    %dma_start3A_26 = arith.constant 192 : i32
    %dma_start3A_27 = arith.constant 0 : i32
    %dma_start3A_28 = tpu.memref_slice %arg6[%dma_start3A_26, %dma_start3A_27] : memref<512x64xf32, #tpu.memory_space<vmem>> -> memref<64x64xf32, #tpu.memory_space<vmem>>
    %dma_start3A_29 = arith.constant 192 : i32
    %dma_start3A_30 = tpu.memref_slice %arg5[%dma_start3A_29] : memref<512xi32, #tpu.memory_space<vmem>> -> memref<64xi32, #tpu.memory_space<vmem>>
    %dma_start3A_31 = arith.constant 0 : i32
    %dma_start3A_32 = arith.constant 0 : i32
    %dma_start3A_33 = tpu.memref_slice %arg3[%dma_start3A_31, %dma_start3A_32] : memref<1000x64xf32, #tpu.memory_space<hbm>> -> memref<1000x64xf32, #tpu.memory_space<hbm>>
    tpu.enqueue_indirect_dma source(%dma_start3A_33 : memref<1000x64xf32, #tpu.memory_space<hbm>>) target(%dma_start3A_28 : memref<64x64xf32, #tpu.memory_space<vmem>>) offsets(%dma_start3A_30 : memref<64xi32, #tpu.memory_space<vmem>>) semaphore(%arg10 : memref<!tpu.dma_semaphore, #tpu.memory_space<semaphore_mem>>)
    %dma_start3A_34 = arith.constant 256 : i32
    %dma_start3A_35 = arith.constant 0 : i32
    %dma_start3A_36 = tpu.memref_slice %arg6[%dma_start3A_34, %dma_start3A_35] : memref<512x64xf32, #tpu.memory_space<vmem>> -> memref<64x64xf32, #tpu.memory_space<vmem>>
    %dma_start3A_37 = arith.constant 256 : i32
    %dma_start3A_38 = tpu.memref_slice %arg5[%dma_start3A_37] : memref<512xi32, #tpu.memory_space<vmem>> -> memref<64xi32, #tpu.memory_space<vmem>>
    %dma_start3A_39 = arith.constant 0 : i32
    %dma_start3A_40 = arith.constant 0 : i32
    %dma_start3A_41 = tpu.memref_slice %arg3[%dma_start3A_39, %dma_start3A_40] : memref<1000x64xf32, #tpu.memory_space<hbm>> -> memref<1000x64xf32, #tpu.memory_space<hbm>>
    tpu.enqueue_indirect_dma source(%dma_start3A_41 : memref<1000x64xf32, #tpu.memory_space<hbm>>) target(%dma_start3A_36 : memref<64x64xf32, #tpu.memory_space<vmem>>) offsets(%dma_start3A_38 : memref<64xi32, #tpu.memory_space<vmem>>) semaphore(%arg11 : memref<!tpu.dma_semaphore, #tpu.memory_space<semaphore_mem>>)
    %dma_start3A_42 = arith.constant 320 : i32
    %dma_start3A_43 = arith.constant 0 : i32
    %dma_start3A_44 = tpu.memref_slice %arg6[%dma_start3A_42, %dma_start3A_43] : memref<512x64xf32, #tpu.memory_space<vmem>> -> memref<64x64xf32, #tpu.memory_space<vmem>>
    %dma_start3A_45 = arith.constant 320 : i32
    %dma_start3A_46 = tpu.memref_slice %arg5[%dma_start3A_45] : memref<512xi32, #tpu.memory_space<vmem>> -> memref<64xi32, #tpu.memory_space<vmem>>
    %dma_start3A_47 = arith.constant 0 : i32
    %dma_start3A_48 = arith.constant 0 : i32
    %dma_start3A_49 = tpu.memref_slice %arg3[%dma_start3A_47, %dma_start3A_48] : memref<1000x64xf32, #tpu.memory_space<hbm>> -> memref<1000x64xf32, #tpu.memory_space<hbm>>
    tpu.enqueue_indirect_dma source(%dma_start3A_49 : memref<1000x64xf32, #tpu.memory_space<hbm>>) target(%dma_start3A_44 : memref<64x64xf32, #tpu.memory_space<vmem>>) offsets(%dma_start3A_46 : memref<64xi32, #tpu.memory_space<vmem>>) semaphore(%arg12 : memref<!tpu.dma_semaphore, #tpu.memory_space<semaphore_mem>>)
    %dma_start3A_50 = arith.constant 384 : i32
    %dma_start3A_51 = arith.constant 0 : i32
    %dma_start3A_52 = tpu.memref_slice %arg6[%dma_start3A_50, %dma_start3A_51] : memref<512x64xf32, #tpu.memory_space<vmem>> -> memref<64x64xf32, #tpu.memory_space<vmem>>
    %dma_start3A_53 = arith.constant 384 : i32
    %dma_start3A_54 = tpu.memref_slice %arg5[%dma_start3A_53] : memref<512xi32, #tpu.memory_space<vmem>> -> memref<64xi32, #tpu.memory_space<vmem>>
    %dma_start3A_55 = arith.constant 0 : i32
    %dma_start3A_56 = arith.constant 0 : i32
    %dma_start3A_57 = tpu.memref_slice %arg3[%dma_start3A_55, %dma_start3A_56] : memref<1000x64xf32, #tpu.memory_space<hbm>> -> memref<1000x64xf32, #tpu.memory_space<hbm>>
    tpu.enqueue_indirect_dma source(%dma_start3A_57 : memref<1000x64xf32, #tpu.memory_space<hbm>>) target(%dma_start3A_52 : memref<64x64xf32, #tpu.memory_space<vmem>>) offsets(%dma_start3A_54 : memref<64xi32, #tpu.memory_space<vmem>>) semaphore(%arg13 : memref<!tpu.dma_semaphore, #tpu.memory_space<semaphore_mem>>)
    %dma_start3A_58 = arith.constant 448 : i32
    %dma_start3A_59 = arith.constant 0 : i32
    %dma_start3A_60 = tpu.memref_slice %arg6[%dma_start3A_58, %dma_start3A_59] : memref<512x64xf32, #tpu.memory_space<vmem>> -> memref<64x64xf32, #tpu.memory_space<vmem>>
    %dma_start3A_61 = arith.constant 448 : i32
    %dma_start3A_62 = tpu.memref_slice %arg5[%dma_start3A_61] : memref<512xi32, #tpu.memory_space<vmem>> -> memref<64xi32, #tpu.memory_space<vmem>>
    %dma_start3A_63 = arith.constant 0 : i32
    %dma_start3A_64 = arith.constant 0 : i32
    %dma_start3A_65 = tpu.memref_slice %arg3[%dma_start3A_63, %dma_start3A_64] : memref<1000x64xf32, #tpu.memory_space<hbm>> -> memref<1000x64xf32, #tpu.memory_space<hbm>>
    tpu.enqueue_indirect_dma source(%dma_start3A_65 : memref<1000x64xf32, #tpu.memory_space<hbm>>) target(%dma_start3A_60 : memref<64x64xf32, #tpu.memory_space<vmem>>) offsets(%dma_start3A_62 : memref<64xi32, #tpu.memory_space<vmem>>) semaphore(%arg14 : memref<!tpu.dma_semaphore, #tpu.memory_space<semaphore_mem>>)
    %dma_wait3A = arith.constant 0 : i32
    %dma_wait3A_66 = arith.constant 0 : i32
    %dma_wait3A_67 = tpu.memref_slice %arg6[%dma_wait3A, %dma_wait3A_66] : memref<512x64xf32, #tpu.memory_space<vmem>> -> memref<64x64xf32, #tpu.memory_space<vmem>>
    %dma_wait3A_68 = arith.constant 0 : i32
    %dma_wait3A_69 = tpu.memref_slice %arg5[%dma_wait3A_68] : memref<512xi32, #tpu.memory_space<vmem>> -> memref<64xi32, #tpu.memory_space<vmem>>
    %dma_wait3A_70 = arith.constant 0 : i32
    %dma_wait3A_71 = arith.constant 0 : i32
    %dma_wait3A_72 = tpu.memref_slice %arg3[%dma_wait3A_70, %dma_wait3A_71] : memref<1000x64xf32, #tpu.memory_space<hbm>> -> memref<1000x64xf32, #tpu.memory_space<hbm>>
    tpu.wait_indirect_dma semaphore(%arg7 : memref<!tpu.dma_semaphore, #tpu.memory_space<semaphore_mem>>) src(%dma_wait3A_72 : memref<1000x64xf32, #tpu.memory_space<hbm>>) dst(%dma_wait3A_67 : memref<64x64xf32, #tpu.memory_space<vmem>>)
    %add3A_73 = arith.constant 0 : i32
    %add3A_74 = arith.addi %mul3A_2, %add3A_73 : i32
    %dma_start3A_75 = arith.constant 0 : i32
    %dma_start3A_76 = arith.constant 0 : i32
    %dma_start3A_77 = tpu.memref_slice %arg6[%dma_start3A_75, %dma_start3A_76] : memref<512x64xf32, #tpu.memory_space<vmem>> -> memref<64x64xf32, #tpu.memory_space<vmem>>
    %dma_start3A_78 = arith.constant 0 : i32
    %dma_start3A_79 = tpu.memref_slice %arg4[%add3A_74, %dma_start3A_78] : memref<16384x64xf32, #tpu.memory_space<hbm>> -> memref<64x64xf32, #tpu.memory_space<hbm>>
    %dma_start3A_80 = arith.constant 0 : i32
    %dma_start3A_81 = tpu.memref_slice %arg4[%add3A_74, %dma_start3A_80] : memref<16384x64xf32, #tpu.memory_space<hbm>> -> memref<64x64xf32, #tpu.memory_space<hbm>>
    %dma_start3A_82 = arith.constant 0 : i32
    %dma_start3A_83 = arith.constant 0 : i32
    %dma_start3A_84 = tpu.memref_slice %arg6[%dma_start3A_82, %dma_start3A_83] : memref<512x64xf32, #tpu.memory_space<vmem>> -> memref<64x64xf32, #tpu.memory_space<vmem>>
    tpu.enqueue_dma source(%dma_start3A_84 : memref<64x64xf32, #tpu.memory_space<vmem>>) target(%dma_start3A_81 : memref<64x64xf32, #tpu.memory_space<hbm>>) target_semaphore(%arg15 : memref<!tpu.dma_semaphore, #tpu.memory_space<semaphore_mem>>)
    %dma_wait3A_85 = arith.constant 64 : i32
    %dma_wait3A_86 = arith.constant 0 : i32
    %dma_wait3A_87 = tpu.memref_slice %arg6[%dma_wait3A_85, %dma_wait3A_86] : memref<512x64xf32, #tpu.memory_space<vmem>> -> memref<64x64xf32, #tpu.memory_space<vmem>>
    %dma_wait3A_88 = arith.constant 64 : i32
    %dma_wait3A_89 = tpu.memref_slice %arg5[%dma_wait3A_88] : memref<512xi32, #tpu.memory_space<vmem>> -> memref<64xi32, #tpu.memory_space<vmem>>
    %dma_wait3A_90 = arith.constant 0 : i32
    %dma_wait3A_91 = arith.constant 0 : i32
    %dma_wait3A_92 = tpu.memref_slice %arg3[%dma_wait3A_90, %dma_wait3A_91] : memref<1000x64xf32, #tpu.memory_space<hbm>> -> memref<1000x64xf32, #tpu.memory_space<hbm>>
    tpu.wait_indirect_dma semaphore(%arg8 : memref<!tpu.dma_semaphore, #tpu.memory_space<semaphore_mem>>) src(%dma_wait3A_92 : memref<1000x64xf32, #tpu.memory_space<hbm>>) dst(%dma_wait3A_87 : memref<64x64xf32, #tpu.memory_space<vmem>>)
    %add3A_93 = arith.constant 64 : i32
    %add3A_94 = arith.addi %mul3A_2, %add3A_93 : i32
    %dma_start3A_95 = arith.constant 64 : i32
    %dma_start3A_96 = arith.constant 0 : i32
    %dma_start3A_97 = tpu.memref_slice %arg6[%dma_start3A_95, %dma_start3A_96] : memref<512x64xf32, #tpu.memory_space<vmem>> -> memref<64x64xf32, #tpu.memory_space<vmem>>
    %dma_start3A_98 = arith.constant 0 : i32
    %dma_start3A_99 = tpu.memref_slice %arg4[%add3A_94, %dma_start3A_98] : memref<16384x64xf32, #tpu.memory_space<hbm>> -> memref<64x64xf32, #tpu.memory_space<hbm>>
    %dma_start3A_100 = arith.constant 0 : i32
    %dma_start3A_101 = tpu.memref_slice %arg4[%add3A_94, %dma_start3A_100] : memref<16384x64xf32, #tpu.memory_space<hbm>> -> memref<64x64xf32, #tpu.memory_space<hbm>>
    %dma_start3A_102 = arith.constant 64 : i32
    %dma_start3A_103 = arith.constant 0 : i32
    %dma_start3A_104 = tpu.memref_slice %arg6[%dma_start3A_102, %dma_start3A_103] : memref<512x64xf32, #tpu.memory_space<vmem>> -> memref<64x64xf32, #tpu.memory_space<vmem>>
    tpu.enqueue_dma source(%dma_start3A_104 : memref<64x64xf32, #tpu.memory_space<vmem>>) target(%dma_start3A_101 : memref<64x64xf32, #tpu.memory_space<hbm>>) target_semaphore(%arg15 : memref<!tpu.dma_semaphore, #tpu.memory_space<semaphore_mem>>)
    %dma_wait3A_105 = arith.constant 128 : i32
    %dma_wait3A_106 = arith.constant 0 : i32
    %dma_wait3A_107 = tpu.memref_slice %arg6[%dma_wait3A_105, %dma_wait3A_106] : memref<512x64xf32, #tpu.memory_space<vmem>> -> memref<64x64xf32, #tpu.memory_space<vmem>>
    %dma_wait3A_108 = arith.constant 128 : i32
    %dma_wait3A_109 = tpu.memref_slice %arg5[%dma_wait3A_108] : memref<512xi32, #tpu.memory_space<vmem>> -> memref<64xi32, #tpu.memory_space<vmem>>
    %dma_wait3A_110 = arith.constant 0 : i32
    %dma_wait3A_111 = arith.constant 0 : i32
    %dma_wait3A_112 = tpu.memref_slice %arg3[%dma_wait3A_110, %dma_wait3A_111] : memref<1000x64xf32, #tpu.memory_space<hbm>> -> memref<1000x64xf32, #tpu.memory_space<hbm>>
    tpu.wait_indirect_dma semaphore(%arg9 : memref<!tpu.dma_semaphore, #tpu.memory_space<semaphore_mem>>) src(%dma_wait3A_112 : memref<1000x64xf32, #tpu.memory_space<hbm>>) dst(%dma_wait3A_107 : memref<64x64xf32, #tpu.memory_space<vmem>>)
    %add3A_113 = arith.constant 128 : i32
    %add3A_114 = arith.addi %mul3A_2, %add3A_113 : i32
    %dma_start3A_115 = arith.constant 128 : i32
    %dma_start3A_116 = arith.constant 0 : i32
    %dma_start3A_117 = tpu.memref_slice %arg6[%dma_start3A_115, %dma_start3A_116] : memref<512x64xf32, #tpu.memory_space<vmem>> -> memref<64x64xf32, #tpu.memory_space<vmem>>
    %dma_start3A_118 = arith.constant 0 : i32
    %dma_start3A_119 = tpu.memref_slice %arg4[%add3A_114, %dma_start3A_118] : memref<16384x64xf32, #tpu.memory_space<hbm>> -> memref<64x64xf32, #tpu.memory_space<hbm>>
    %dma_start3A_120 = arith.constant 0 : i32
    %dma_start3A_121 = tpu.memref_slice %arg4[%add3A_114, %dma_start3A_120] : memref<16384x64xf32, #tpu.memory_space<hbm>> -> memref<64x64xf32, #tpu.memory_space<hbm>>
    %dma_start3A_122 = arith.constant 128 : i32
    %dma_start3A_123 = arith.constant 0 : i32
    %dma_start3A_124 = tpu.memref_slice %arg6[%dma_start3A_122, %dma_start3A_123] : memref<512x64xf32, #tpu.memory_space<vmem>> -> memref<64x64xf32, #tpu.memory_space<vmem>>
    tpu.enqueue_dma source(%dma_start3A_124 : memref<64x64xf32, #tpu.memory_space<vmem>>) target(%dma_start3A_121 : memref<64x64xf32, #tpu.memory_space<hbm>>) target_semaphore(%arg15 : memref<!tpu.dma_semaphore, #tpu.memory_space<semaphore_mem>>)
    %dma_wait3A_125 = arith.constant 192 : i32
    %dma_wait3A_126 = arith.constant 0 : i32
    %dma_wait3A_127 = tpu.memref_slice %arg6[%dma_wait3A_125, %dma_wait3A_126] : memref<512x64xf32, #tpu.memory_space<vmem>> -> memref<64x64xf32, #tpu.memory_space<vmem>>
    %dma_wait3A_128 = arith.constant 192 : i32
    %dma_wait3A_129 = tpu.memref_slice %arg5[%dma_wait3A_128] : memref<512xi32, #tpu.memory_space<vmem>> -> memref<64xi32, #tpu.memory_space<vmem>>
    %dma_wait3A_130 = arith.constant 0 : i32
    %dma_wait3A_131 = arith.constant 0 : i32
    %dma_wait3A_132 = tpu.memref_slice %arg3[%dma_wait3A_130, %dma_wait3A_131] : memref<1000x64xf32, #tpu.memory_space<hbm>> -> memref<1000x64xf32, #tpu.memory_space<hbm>>
    tpu.wait_indirect_dma semaphore(%arg10 : memref<!tpu.dma_semaphore, #tpu.memory_space<semaphore_mem>>) src(%dma_wait3A_132 : memref<1000x64xf32, #tpu.memory_space<hbm>>) dst(%dma_wait3A_127 : memref<64x64xf32, #tpu.memory_space<vmem>>)
    %add3A_133 = arith.constant 192 : i32
    %add3A_134 = arith.addi %mul3A_2, %add3A_133 : i32
    %dma_start3A_135 = arith.constant 192 : i32
    %dma_start3A_136 = arith.constant 0 : i32
    %dma_start3A_137 = tpu.memref_slice %arg6[%dma_start3A_135, %dma_start3A_136] : memref<512x64xf32, #tpu.memory_space<vmem>> -> memref<64x64xf32, #tpu.memory_space<vmem>>
    %dma_start3A_138 = arith.constant 0 : i32
    %dma_start3A_139 = tpu.memref_slice %arg4[%add3A_134, %dma_start3A_138] : memref<16384x64xf32, #tpu.memory_space<hbm>> -> memref<64x64xf32, #tpu.memory_space<hbm>>
    %dma_start3A_140 = arith.constant 0 : i32
    %dma_start3A_141 = tpu.memref_slice %arg4[%add3A_134, %dma_start3A_140] : memref<16384x64xf32, #tpu.memory_space<hbm>> -> memref<64x64xf32, #tpu.memory_space<hbm>>
    %dma_start3A_142 = arith.constant 192 : i32
    %dma_start3A_143 = arith.constant 0 : i32
    %dma_start3A_144 = tpu.memref_slice %arg6[%dma_start3A_142, %dma_start3A_143] : memref<512x64xf32, #tpu.memory_space<vmem>> -> memref<64x64xf32, #tpu.memory_space<vmem>>
    tpu.enqueue_dma source(%dma_start3A_144 : memref<64x64xf32, #tpu.memory_space<vmem>>) target(%dma_start3A_141 : memref<64x64xf32, #tpu.memory_space<hbm>>) target_semaphore(%arg15 : memref<!tpu.dma_semaphore, #tpu.memory_space<semaphore_mem>>)
    %dma_wait3A_145 = arith.constant 256 : i32
    %dma_wait3A_146 = arith.constant 0 : i32
    %dma_wait3A_147 = tpu.memref_slice %arg6[%dma_wait3A_145, %dma_wait3A_146] : memref<512x64xf32, #tpu.memory_space<vmem>> -> memref<64x64xf32, #tpu.memory_space<vmem>>
    %dma_wait3A_148 = arith.constant 256 : i32
    %dma_wait3A_149 = tpu.memref_slice %arg5[%dma_wait3A_148] : memref<512xi32, #tpu.memory_space<vmem>> -> memref<64xi32, #tpu.memory_space<vmem>>
    %dma_wait3A_150 = arith.constant 0 : i32
    %dma_wait3A_151 = arith.constant 0 : i32
    %dma_wait3A_152 = tpu.memref_slice %arg3[%dma_wait3A_150, %dma_wait3A_151] : memref<1000x64xf32, #tpu.memory_space<hbm>> -> memref<1000x64xf32, #tpu.memory_space<hbm>>
    tpu.wait_indirect_dma semaphore(%arg11 : memref<!tpu.dma_semaphore, #tpu.memory_space<semaphore_mem>>) src(%dma_wait3A_152 : memref<1000x64xf32, #tpu.memory_space<hbm>>) dst(%dma_wait3A_147 : memref<64x64xf32, #tpu.memory_space<vmem>>)
    %add3A_153 = arith.constant 256 : i32
    %add3A_154 = arith.addi %mul3A_2, %add3A_153 : i32
    %dma_start3A_155 = arith.constant 256 : i32
    %dma_start3A_156 = arith.constant 0 : i32
    %dma_start3A_157 = tpu.memref_slice %arg6[%dma_start3A_155, %dma_start3A_156] : memref<512x64xf32, #tpu.memory_space<vmem>> -> memref<64x64xf32, #tpu.memory_space<vmem>>
    %dma_start3A_158 = arith.constant 0 : i32
    %dma_start3A_159 = tpu.memref_slice %arg4[%add3A_154, %dma_start3A_158] : memref<16384x64xf32, #tpu.memory_space<hbm>> -> memref<64x64xf32, #tpu.memory_space<hbm>>
    %dma_start3A_160 = arith.constant 0 : i32
    %dma_start3A_161 = tpu.memref_slice %arg4[%add3A_154, %dma_start3A_160] : memref<16384x64xf32, #tpu.memory_space<hbm>> -> memref<64x64xf32, #tpu.memory_space<hbm>>
    %dma_start3A_162 = arith.constant 256 : i32
    %dma_start3A_163 = arith.constant 0 : i32
    %dma_start3A_164 = tpu.memref_slice %arg6[%dma_start3A_162, %dma_start3A_163] : memref<512x64xf32, #tpu.memory_space<vmem>> -> memref<64x64xf32, #tpu.memory_space<vmem>>
    tpu.enqueue_dma source(%dma_start3A_164 : memref<64x64xf32, #tpu.memory_space<vmem>>) target(%dma_start3A_161 : memref<64x64xf32, #tpu.memory_space<hbm>>) target_semaphore(%arg15 : memref<!tpu.dma_semaphore, #tpu.memory_space<semaphore_mem>>)
    %dma_wait3A_165 = arith.constant 320 : i32
    %dma_wait3A_166 = arith.constant 0 : i32
    %dma_wait3A_167 = tpu.memref_slice %arg6[%dma_wait3A_165, %dma_wait3A_166] : memref<512x64xf32, #tpu.memory_space<vmem>> -> memref<64x64xf32, #tpu.memory_space<vmem>>
    %dma_wait3A_168 = arith.constant 320 : i32
    %dma_wait3A_169 = tpu.memref_slice %arg5[%dma_wait3A_168] : memref<512xi32, #tpu.memory_space<vmem>> -> memref<64xi32, #tpu.memory_space<vmem>>
    %dma_wait3A_170 = arith.constant 0 : i32
    %dma_wait3A_171 = arith.constant 0 : i32
    %dma_wait3A_172 = tpu.memref_slice %arg3[%dma_wait3A_170, %dma_wait3A_171] : memref<1000x64xf32, #tpu.memory_space<hbm>> -> memref<1000x64xf32, #tpu.memory_space<hbm>>
    tpu.wait_indirect_dma semaphore(%arg12 : memref<!tpu.dma_semaphore, #tpu.memory_space<semaphore_mem>>) src(%dma_wait3A_172 : memref<1000x64xf32, #tpu.memory_space<hbm>>) dst(%dma_wait3A_167 : memref<64x64xf32, #tpu.memory_space<vmem>>)
    %add3A_173 = arith.constant 320 : i32
    %add3A_174 = arith.addi %mul3A_2, %add3A_173 : i32
    %dma_start3A_175 = arith.constant 320 : i32
    %dma_start3A_176 = arith.constant 0 : i32
    %dma_start3A_177 = tpu.memref_slice %arg6[%dma_start3A_175, %dma_start3A_176] : memref<512x64xf32, #tpu.memory_space<vmem>> -> memref<64x64xf32, #tpu.memory_space<vmem>>
    %dma_start3A_178 = arith.constant 0 : i32
    %dma_start3A_179 = tpu.memref_slice %arg4[%add3A_174, %dma_start3A_178] : memref<16384x64xf32, #tpu.memory_space<hbm>> -> memref<64x64xf32, #tpu.memory_space<hbm>>
    %dma_start3A_180 = arith.constant 0 : i32
    %dma_start3A_181 = tpu.memref_slice %arg4[%add3A_174, %dma_start3A_180] : memref<16384x64xf32, #tpu.memory_space<hbm>> -> memref<64x64xf32, #tpu.memory_space<hbm>>
    %dma_start3A_182 = arith.constant 320 : i32
    %dma_start3A_183 = arith.constant 0 : i32
    %dma_start3A_184 = tpu.memref_slice %arg6[%dma_start3A_182, %dma_start3A_183] : memref<512x64xf32, #tpu.memory_space<vmem>> -> memref<64x64xf32, #tpu.memory_space<vmem>>
    tpu.enqueue_dma source(%dma_start3A_184 : memref<64x64xf32, #tpu.memory_space<vmem>>) target(%dma_start3A_181 : memref<64x64xf32, #tpu.memory_space<hbm>>) target_semaphore(%arg15 : memref<!tpu.dma_semaphore, #tpu.memory_space<semaphore_mem>>)
    %dma_wait3A_185 = arith.constant 384 : i32
    %dma_wait3A_186 = arith.constant 0 : i32
    %dma_wait3A_187 = tpu.memref_slice %arg6[%dma_wait3A_185, %dma_wait3A_186] : memref<512x64xf32, #tpu.memory_space<vmem>> -> memref<64x64xf32, #tpu.memory_space<vmem>>
    %dma_wait3A_188 = arith.constant 384 : i32
    %dma_wait3A_189 = tpu.memref_slice %arg5[%dma_wait3A_188] : memref<512xi32, #tpu.memory_space<vmem>> -> memref<64xi32, #tpu.memory_space<vmem>>
    %dma_wait3A_190 = arith.constant 0 : i32
    %dma_wait3A_191 = arith.constant 0 : i32
    %dma_wait3A_192 = tpu.memref_slice %arg3[%dma_wait3A_190, %dma_wait3A_191] : memref<1000x64xf32, #tpu.memory_space<hbm>> -> memref<1000x64xf32, #tpu.memory_space<hbm>>
    tpu.wait_indirect_dma semaphore(%arg13 : memref<!tpu.dma_semaphore, #tpu.memory_space<semaphore_mem>>) src(%dma_wait3A_192 : memref<1000x64xf32, #tpu.memory_space<hbm>>) dst(%dma_wait3A_187 : memref<64x64xf32, #tpu.memory_space<vmem>>)
    %add3A_193 = arith.constant 384 : i32
    %add3A_194 = arith.addi %mul3A_2, %add3A_193 : i32
    %dma_start3A_195 = arith.constant 384 : i32
    %dma_start3A_196 = arith.constant 0 : i32
    %dma_start3A_197 = tpu.memref_slice %arg6[%dma_start3A_195, %dma_start3A_196] : memref<512x64xf32, #tpu.memory_space<vmem>> -> memref<64x64xf32, #tpu.memory_space<vmem>>
    %dma_start3A_198 = arith.constant 0 : i32
    %dma_start3A_199 = tpu.memref_slice %arg4[%add3A_194, %dma_start3A_198] : memref<16384x64xf32, #tpu.memory_space<hbm>> -> memref<64x64xf32, #tpu.memory_space<hbm>>
    %dma_start3A_200 = arith.constant 0 : i32
    %dma_start3A_201 = tpu.memref_slice %arg4[%add3A_194, %dma_start3A_200] : memref<16384x64xf32, #tpu.memory_space<hbm>> -> memref<64x64xf32, #tpu.memory_space<hbm>>
    %dma_start3A_202 = arith.constant 384 : i32
    %dma_start3A_203 = arith.constant 0 : i32
    %dma_start3A_204 = tpu.memref_slice %arg6[%dma_start3A_202, %dma_start3A_203] : memref<512x64xf32, #tpu.memory_space<vmem>> -> memref<64x64xf32, #tpu.memory_space<vmem>>
    tpu.enqueue_dma source(%dma_start3A_204 : memref<64x64xf32, #tpu.memory_space<vmem>>) target(%dma_start3A_201 : memref<64x64xf32, #tpu.memory_space<hbm>>) target_semaphore(%arg15 : memref<!tpu.dma_semaphore, #tpu.memory_space<semaphore_mem>>)
    %dma_wait3A_205 = arith.constant 448 : i32
    %dma_wait3A_206 = arith.constant 0 : i32
    %dma_wait3A_207 = tpu.memref_slice %arg6[%dma_wait3A_205, %dma_wait3A_206] : memref<512x64xf32, #tpu.memory_space<vmem>> -> memref<64x64xf32, #tpu.memory_space<vmem>>
    %dma_wait3A_208 = arith.constant 448 : i32
    %dma_wait3A_209 = tpu.memref_slice %arg5[%dma_wait3A_208] : memref<512xi32, #tpu.memory_space<vmem>> -> memref<64xi32, #tpu.memory_space<vmem>>
    %dma_wait3A_210 = arith.constant 0 : i32
    %dma_wait3A_211 = arith.constant 0 : i32
    %dma_wait3A_212 = tpu.memref_slice %arg3[%dma_wait3A_210, %dma_wait3A_211] : memref<1000x64xf32, #tpu.memory_space<hbm>> -> memref<1000x64xf32, #tpu.memory_space<hbm>>
    tpu.wait_indirect_dma semaphore(%arg14 : memref<!tpu.dma_semaphore, #tpu.memory_space<semaphore_mem>>) src(%dma_wait3A_212 : memref<1000x64xf32, #tpu.memory_space<hbm>>) dst(%dma_wait3A_207 : memref<64x64xf32, #tpu.memory_space<vmem>>)
    %add3A_213 = arith.constant 448 : i32
    %add3A_214 = arith.addi %mul3A_2, %add3A_213 : i32
    %dma_start3A_215 = arith.constant 448 : i32
    %dma_start3A_216 = arith.constant 0 : i32
    %dma_start3A_217 = tpu.memref_slice %arg6[%dma_start3A_215, %dma_start3A_216] : memref<512x64xf32, #tpu.memory_space<vmem>> -> memref<64x64xf32, #tpu.memory_space<vmem>>
    %dma_start3A_218 = arith.constant 0 : i32
    %dma_start3A_219 = tpu.memref_slice %arg4[%add3A_214, %dma_start3A_218] : memref<16384x64xf32, #tpu.memory_space<hbm>> -> memref<64x64xf32, #tpu.memory_space<hbm>>
    %dma_start3A_220 = arith.constant 0 : i32
    %dma_start3A_221 = tpu.memref_slice %arg4[%add3A_214, %dma_start3A_220] : memref<16384x64xf32, #tpu.memory_space<hbm>> -> memref<64x64xf32, #tpu.memory_space<hbm>>
    %dma_start3A_222 = arith.constant 448 : i32
    %dma_start3A_223 = arith.constant 0 : i32
    %dma_start3A_224 = tpu.memref_slice %arg6[%dma_start3A_222, %dma_start3A_223] : memref<512x64xf32, #tpu.memory_space<vmem>> -> memref<64x64xf32, #tpu.memory_space<vmem>>
    tpu.enqueue_dma source(%dma_start3A_224 : memref<64x64xf32, #tpu.memory_space<vmem>>) target(%dma_start3A_221 : memref<64x64xf32, #tpu.memory_space<hbm>>) target_semaphore(%arg15 : memref<!tpu.dma_semaphore, #tpu.memory_space<semaphore_mem>>)
    %dma_wait3A_225 = arith.constant 0 : i32
    %dma_wait3A_226 = arith.constant 0 : i32
    %dma_wait3A_227 = tpu.memref_slice %arg6[%dma_wait3A_225, %dma_wait3A_226] : memref<512x64xf32, #tpu.memory_space<vmem>> -> memref<64x64xf32, #tpu.memory_space<vmem>>
    %dma_wait3A_228 = arith.constant 0 : i32
    %dma_wait3A_229 = tpu.memref_slice %arg4[%add3A_74, %dma_wait3A_228] : memref<16384x64xf32, #tpu.memory_space<hbm>> -> memref<64x64xf32, #tpu.memory_space<hbm>>
    %dma_wait3A_230 = arith.constant 0 : i32
    %dma_wait3A_231 = tpu.memref_slice %arg4[%add3A_74, %dma_wait3A_230] : memref<16384x64xf32, #tpu.memory_space<hbm>> -> memref<64x64xf32, #tpu.memory_space<hbm>>
    %dma_wait3A_232 = arith.constant 0 : i32
    %dma_wait3A_233 = arith.constant 0 : i32
    %dma_wait3A_234 = tpu.memref_slice %arg6[%dma_wait3A_232, %dma_wait3A_233] : memref<512x64xf32, #tpu.memory_space<vmem>> -> memref<64x64xf32, #tpu.memory_space<vmem>>
    tpu.wait_dma2 semaphore(%arg15 : memref<!tpu.dma_semaphore, #tpu.memory_space<semaphore_mem>>) src(%dma_wait3A_234 : memref<64x64xf32, #tpu.memory_space<vmem>>) dst(%dma_wait3A_231 : memref<64x64xf32, #tpu.memory_space<hbm>>)
    %dma_wait3A_235 = arith.constant 64 : i32
    %dma_wait3A_236 = arith.constant 0 : i32
    %dma_wait3A_237 = tpu.memref_slice %arg6[%dma_wait3A_235, %dma_wait3A_236] : memref<512x64xf32, #tpu.memory_space<vmem>> -> memref<64x64xf32, #tpu.memory_space<vmem>>
    %dma_wait3A_238 = arith.constant 0 : i32
    %dma_wait3A_239 = tpu.memref_slice %arg4[%add3A_94, %dma_wait3A_238] : memref<16384x64xf32, #tpu.memory_space<hbm>> -> memref<64x64xf32, #tpu.memory_space<hbm>>
    %dma_wait3A_240 = arith.constant 0 : i32
    %dma_wait3A_241 = tpu.memref_slice %arg4[%add3A_94, %dma_wait3A_240] : memref<16384x64xf32, #tpu.memory_space<hbm>> -> memref<64x64xf32, #tpu.memory_space<hbm>>
    %dma_wait3A_242 = arith.constant 64 : i32
    %dma_wait3A_243 = arith.constant 0 : i32
    %dma_wait3A_244 = tpu.memref_slice %arg6[%dma_wait3A_242, %dma_wait3A_243] : memref<512x64xf32, #tpu.memory_space<vmem>> -> memref<64x64xf32, #tpu.memory_space<vmem>>
    tpu.wait_dma2 semaphore(%arg15 : memref<!tpu.dma_semaphore, #tpu.memory_space<semaphore_mem>>) src(%dma_wait3A_244 : memref<64x64xf32, #tpu.memory_space<vmem>>) dst(%dma_wait3A_241 : memref<64x64xf32, #tpu.memory_space<hbm>>)
    %dma_wait3A_245 = arith.constant 128 : i32
    %dma_wait3A_246 = arith.constant 0 : i32
    %dma_wait3A_247 = tpu.memref_slice %arg6[%dma_wait3A_245, %dma_wait3A_246] : memref<512x64xf32, #tpu.memory_space<vmem>> -> memref<64x64xf32, #tpu.memory_space<vmem>>
    %dma_wait3A_248 = arith.constant 0 : i32
    %dma_wait3A_249 = tpu.memref_slice %arg4[%add3A_114, %dma_wait3A_248] : memref<16384x64xf32, #tpu.memory_space<hbm>> -> memref<64x64xf32, #tpu.memory_space<hbm>>
    %dma_wait3A_250 = arith.constant 0 : i32
    %dma_wait3A_251 = tpu.memref_slice %arg4[%add3A_114, %dma_wait3A_250] : memref<16384x64xf32, #tpu.memory_space<hbm>> -> memref<64x64xf32, #tpu.memory_space<hbm>>
    %dma_wait3A_252 = arith.constant 128 : i32
    %dma_wait3A_253 = arith.constant 0 : i32
    %dma_wait3A_254 = tpu.memref_slice %arg6[%dma_wait3A_252, %dma_wait3A_253] : memref<512x64xf32, #tpu.memory_space<vmem>> -> memref<64x64xf32, #tpu.memory_space<vmem>>
    tpu.wait_dma2 semaphore(%arg15 : memref<!tpu.dma_semaphore, #tpu.memory_space<semaphore_mem>>) src(%dma_wait3A_254 : memref<64x64xf32, #tpu.memory_space<vmem>>) dst(%dma_wait3A_251 : memref<64x64xf32, #tpu.memory_space<hbm>>)
    %dma_wait3A_255 = arith.constant 192 : i32
    %dma_wait3A_256 = arith.constant 0 : i32
    %dma_wait3A_257 = tpu.memref_slice %arg6[%dma_wait3A_255, %dma_wait3A_256] : memref<512x64xf32, #tpu.memory_space<vmem>> -> memref<64x64xf32, #tpu.memory_space<vmem>>
    %dma_wait3A_258 = arith.constant 0 : i32
    %dma_wait3A_259 = tpu.memref_slice %arg4[%add3A_134, %dma_wait3A_258] : memref<16384x64xf32, #tpu.memory_space<hbm>> -> memref<64x64xf32, #tpu.memory_space<hbm>>
    %dma_wait3A_260 = arith.constant 0 : i32
    %dma_wait3A_261 = tpu.memref_slice %arg4[%add3A_134, %dma_wait3A_260] : memref<16384x64xf32, #tpu.memory_space<hbm>> -> memref<64x64xf32, #tpu.memory_space<hbm>>
    %dma_wait3A_262 = arith.constant 192 : i32
    %dma_wait3A_263 = arith.constant 0 : i32
    %dma_wait3A_264 = tpu.memref_slice %arg6[%dma_wait3A_262, %dma_wait3A_263] : memref<512x64xf32, #tpu.memory_space<vmem>> -> memref<64x64xf32, #tpu.memory_space<vmem>>
    tpu.wait_dma2 semaphore(%arg15 : memref<!tpu.dma_semaphore, #tpu.memory_space<semaphore_mem>>) src(%dma_wait3A_264 : memref<64x64xf32, #tpu.memory_space<vmem>>) dst(%dma_wait3A_261 : memref<64x64xf32, #tpu.memory_space<hbm>>)
    %dma_wait3A_265 = arith.constant 256 : i32
    %dma_wait3A_266 = arith.constant 0 : i32
    %dma_wait3A_267 = tpu.memref_slice %arg6[%dma_wait3A_265, %dma_wait3A_266] : memref<512x64xf32, #tpu.memory_space<vmem>> -> memref<64x64xf32, #tpu.memory_space<vmem>>
    %dma_wait3A_268 = arith.constant 0 : i32
    %dma_wait3A_269 = tpu.memref_slice %arg4[%add3A_154, %dma_wait3A_268] : memref<16384x64xf32, #tpu.memory_space<hbm>> -> memref<64x64xf32, #tpu.memory_space<hbm>>
    %dma_wait3A_270 = arith.constant 0 : i32
    %dma_wait3A_271 = tpu.memref_slice %arg4[%add3A_154, %dma_wait3A_270] : memref<16384x64xf32, #tpu.memory_space<hbm>> -> memref<64x64xf32, #tpu.memory_space<hbm>>
    %dma_wait3A_272 = arith.constant 256 : i32
    %dma_wait3A_273 = arith.constant 0 : i32
    %dma_wait3A_274 = tpu.memref_slice %arg6[%dma_wait3A_272, %dma_wait3A_273] : memref<512x64xf32, #tpu.memory_space<vmem>> -> memref<64x64xf32, #tpu.memory_space<vmem>>
    tpu.wait_dma2 semaphore(%arg15 : memref<!tpu.dma_semaphore, #tpu.memory_space<semaphore_mem>>) src(%dma_wait3A_274 : memref<64x64xf32, #tpu.memory_space<vmem>>) dst(%dma_wait3A_271 : memref<64x64xf32, #tpu.memory_space<hbm>>)
    %dma_wait3A_275 = arith.constant 320 : i32
    %dma_wait3A_276 = arith.constant 0 : i32
    %dma_wait3A_277 = tpu.memref_slice %arg6[%dma_wait3A_275, %dma_wait3A_276] : memref<512x64xf32, #tpu.memory_space<vmem>> -> memref<64x64xf32, #tpu.memory_space<vmem>>
    %dma_wait3A_278 = arith.constant 0 : i32
    %dma_wait3A_279 = tpu.memref_slice %arg4[%add3A_174, %dma_wait3A_278] : memref<16384x64xf32, #tpu.memory_space<hbm>> -> memref<64x64xf32, #tpu.memory_space<hbm>>
    %dma_wait3A_280 = arith.constant 0 : i32
    %dma_wait3A_281 = tpu.memref_slice %arg4[%add3A_174, %dma_wait3A_280] : memref<16384x64xf32, #tpu.memory_space<hbm>> -> memref<64x64xf32, #tpu.memory_space<hbm>>
    %dma_wait3A_282 = arith.constant 320 : i32
    %dma_wait3A_283 = arith.constant 0 : i32
    %dma_wait3A_284 = tpu.memref_slice %arg6[%dma_wait3A_282, %dma_wait3A_283] : memref<512x64xf32, #tpu.memory_space<vmem>> -> memref<64x64xf32, #tpu.memory_space<vmem>>
    tpu.wait_dma2 semaphore(%arg15 : memref<!tpu.dma_semaphore, #tpu.memory_space<semaphore_mem>>) src(%dma_wait3A_284 : memref<64x64xf32, #tpu.memory_space<vmem>>) dst(%dma_wait3A_281 : memref<64x64xf32, #tpu.memory_space<hbm>>)
    %dma_wait3A_285 = arith.constant 384 : i32
    %dma_wait3A_286 = arith.constant 0 : i32
    %dma_wait3A_287 = tpu.memref_slice %arg6[%dma_wait3A_285, %dma_wait3A_286] : memref<512x64xf32, #tpu.memory_space<vmem>> -> memref<64x64xf32, #tpu.memory_space<vmem>>
    %dma_wait3A_288 = arith.constant 0 : i32
    %dma_wait3A_289 = tpu.memref_slice %arg4[%add3A_194, %dma_wait3A_288] : memref<16384x64xf32, #tpu.memory_space<hbm>> -> memref<64x64xf32, #tpu.memory_space<hbm>>
    %dma_wait3A_290 = arith.constant 0 : i32
    %dma_wait3A_291 = tpu.memref_slice %arg4[%add3A_194, %dma_wait3A_290] : memref<16384x64xf32, #tpu.memory_space<hbm>> -> memref<64x64xf32, #tpu.memory_space<hbm>>
    %dma_wait3A_292 = arith.constant 384 : i32
    %dma_wait3A_293 = arith.constant 0 : i32
    %dma_wait3A_294 = tpu.memref_slice %arg6[%dma_wait3A_292, %dma_wait3A_293] : memref<512x64xf32, #tpu.memory_space<vmem>> -> memref<64x64xf32, #tpu.memory_space<vmem>>
    tpu.wait_dma2 semaphore(%arg15 : memref<!tpu.dma_semaphore, #tpu.memory_space<semaphore_mem>>) src(%dma_wait3A_294 : memref<64x64xf32, #tpu.memory_space<vmem>>) dst(%dma_wait3A_291 : memref<64x64xf32, #tpu.memory_space<hbm>>)
    %dma_wait3A_295 = arith.constant 448 : i32
    %dma_wait3A_296 = arith.constant 0 : i32
    %dma_wait3A_297 = tpu.memref_slice %arg6[%dma_wait3A_295, %dma_wait3A_296] : memref<512x64xf32, #tpu.memory_space<vmem>> -> memref<64x64xf32, #tpu.memory_space<vmem>>
    %dma_wait3A_298 = arith.constant 0 : i32
    %dma_wait3A_299 = tpu.memref_slice %arg4[%add3A_214, %dma_wait3A_298] : memref<16384x64xf32, #tpu.memory_space<hbm>> -> memref<64x64xf32, #tpu.memory_space<hbm>>
    %dma_wait3A_300 = arith.constant 0 : i32
    %dma_wait3A_301 = tpu.memref_slice %arg4[%add3A_214, %dma_wait3A_300] : memref<16384x64xf32, #tpu.memory_space<hbm>> -> memref<64x64xf32, #tpu.memory_space<hbm>>
    %dma_wait3A_302 = arith.constant 448 : i32
    %dma_wait3A_303 = arith.constant 0 : i32
    %dma_wait3A_304 = tpu.memref_slice %arg6[%dma_wait3A_302, %dma_wait3A_303] : memref<512x64xf32, #tpu.memory_space<vmem>> -> memref<64x64xf32, #tpu.memory_space<vmem>>
    tpu.wait_dma2 semaphore(%arg15 : memref<!tpu.dma_semaphore, #tpu.memory_space<semaphore_mem>>) src(%dma_wait3A_304 : memref<64x64xf32, #tpu.memory_space<vmem>>) dst(%dma_wait3A_301 : memref<64x64xf32, #tpu.memory_space<hbm>>)
    return
  }
}

</mosaic_0001>

<sc_bundles>
// kernel: kernel.3.cloned.1.call-start
scs
__scs_entry_jumppad:
0x0: {  	(pc) =	sbr.rel $0x88, $3  }
0x1: {  	(tag) =	ssettag $0x0;
	lr =	simm.s32 $0x1  }
0x2: {  	[smem:$0x3F9F] =	sst lr;
	_ =	strace $0xD0000000  }
0x3: {  	_ = 	snop  }
0x4: {  	_ = 	snop  }
0x5: {  	_ = 	snop  }
0x6: {  	_ = 	snop  }
0x7: {  	_ = 	snop  }
__scs_overlays_trampoline_lowered:
0x8: {  	[smem:$0x3FAE] =	sst s0  }
0x9: {  	[smem:$0x3FAF] =	sst s1  }
0xa: {  	[smem:$0x3FB0] =	sst s2  }
0xb: {  	[smem:$0x3FB1] =	sst s3  }
0xc: {  	[smem:$0x3FB2] =	sst s4  }
0xd: {  	[smem:$0x3FB3] =	sst s5  }
0xe: {  	[smem:$0x3FB4] =	sst s6  }
0xf: {  	[smem:$0x3FB5] =	sst s7  }
0x10: {  	[smem:$0x3FB6] =	sst s8  }
0x11: {  	[smem:$0x3FB7] =	sst s9;
	s0 =	simm.s32 @!p0 $0x0  }
0x12: {  	s1 =	sld [smem:$0x3F9D];
	s0 =	simm.s32 @p0 $0x1  }
0x13: {  	[smem:$0x3FB8] =	sst s0;
	s0 =	simm.s32 @!p1 $0x0  }
0x14: {  	s2 =	sld [smem:$0x3F9C];
	s0 =	simm.s32 @p1 $0x1  }
0x15: {  	[smem:$0x3FB9] =	sst s0;
	s0 =	simm.s32 @!p2 $0x0  }
0x16: {  	s3 =	sld [smem:$0x3FDB];
	s0 =	simm.s32 @p2 $0x1  }
0x17: {  	s4 =	simm.s32 $0x1BF5;
	[smem:$0x3FBB] =	sst s0  }
0x18: {  	s0 =	sld [smem:$0x3F9E];
	_ =	swait.ge [sflag:s4], $0x0  }
0x19: {  	s7 =	sld [smem:$0x3F9F]  }
0x1a: {  	s8 =	sadd.s32 $0xFFFFE003, lr  }
0x1b: {  	s9 =	sadd.s32 $0xFFFFFEF7, lr;
	s5 =	simm.s32 $0xFFFFFFFF;
	p2 =	slt.u32 s8, $0xFFFFF086  }
0x1c: {  	p1 =	slt.u32 s9, $0xF7A;
	s5 =	simm.s32 @!p2 $0x0  }
0x1d: {  	s5 =	simm.s32 @p1 $0x1;
	p0 =	seq.s32 s7, s2  }
0x1e: {  	s7 =	smul.u32 @!p0 $0xF7A, s2;
	p2 =	seq.s32 @!p0 s5, $0x0  }
0x1f: {  	s9 =	smul.u32 $0xF7A, s1;
	s8 =	simm.s32 @!p0 $0x1BF5;
	p2 =	por !p2, p0  }
0x20: {  	[sflag:s8] =	ssyncset.s32 @!p0 $0xFFFFF086;
	s6 =	sadd.s32 @!p0 s3, s7;
	s7 =	simm.s32 @!p0 $0x108  }
0x21: {  	s3 =	sadd.s32 s3, s9;
	s6 =	sadd.s32 @!p0 $0x88, s6;
	s7 =	simm.s32 @p2 $0x1082  }
0x22: {  	[simem:s7], [sflag:s8] =	dma.local @!p0 [hbm:s6], $0xF7A  }
0x23: {  	s9 =	sor.u32 $0xD0000000, s2;
	s6 =	simm.s32 $0x108;
	_ =	swait.ge @!p0 [sflag:s8], $0x0  }
0x24: {  	s3 =	sadd.s32 $0x88, s3;
	s6 =	simm.s32 @!p1 $0x1082;
	[sflag:s4] =	ssyncset.s32 $0xFFFFF086  }
0x25: {  	[simem:s6], [sflag:s4] =	dma.local [hbm:s3], $0xF7A  }
0x26: {  	[smem:$0x3F9F] =	sst s1;
	(tag) =	ssettag s2;
	_ =	strace s9  }
0x27: {  	s1 =	sld [smem:$0x3FAF]  }
0x28: {  	s2 =	sld [smem:$0x3FB0]  }
0x29: {  	s4 =	sld [smem:$0x3FB2]  }
0x2a: {  	p0 =	seq.s32 s5, $0x0;
	s5 =	sld [smem:$0x3FB3]  }
0x2b: {  	s6 =	sld [smem:$0x3FB4]  }
0x2c: {  	s7 =	sld [smem:$0x3FB5]  }
0x2d: {  	s3 =	simm.s32 $0x108;
	s8 =	sld [smem:$0x3FB6]  }
0x2e: {  	s3 =	simm.s32 @!p0 $0x1082;
	s9 =	sld [smem:$0x3FB7]  }
0x2f: {  	lr =	sadd.s32 s0, s3;
	s0 =	sld [smem:$0x3FAE]  }
0x30: {  	s3 =	sld [smem:$0x3FB1]  }
0x31: {  	[smem:$0x3FBA] =	sst s10  }
0x32: {  	s10 =	sld [smem:$0x3FB8];
	_ =	sdelay $0x3  }
0x33: {  	p0 =	seq.s32 s10, $0x1;
	s10 =	sld [smem:$0x3FBA];
	_ =	sdelay $0x3  }
0x34: {  	[smem:$0x3FBA] =	sst s10  }
0x35: {  	s10 =	sld [smem:$0x3FB9];
	_ =	sdelay $0x3  }
0x36: {  	p1 =	seq.s32 s10, $0x1;
	s10 =	sld [smem:$0x3FBA];
	_ =	sdelay $0x3  }
0x37: {  	[smem:$0x3FBA] =	sst s10  }
0x38: {  	s10 =	sld [smem:$0x3FBB]  }
0x39: {  	_ = 	snop;
	(pc) =	sbr.ind lr, $3  }
0x3a: {  	_ = 	snop  }
0x3b: {  	_ = 	snop  }
0x3c: {  	p2 =	seq.s32 s10, $0x1;
	s10 =	sld [smem:$0x3FBA]  }
0x3d: {  	_ =	shalt  }
0x3e: {  	_ =	shalt  }
0x3f: {  	_ =	shalt  }
0x40: {  	_ =	shalt  }
0x41: {  	_ =	shalt  }
0x42: {  	_ =	shalt  }
0x43: {  	_ =	shalt  }
0x44: {  	_ =	shalt  }
0x45: {  	_ =	shalt  }
0x46: {  	_ =	shalt  }
0x47: {  	_ =	shalt  }
0x48: {  	_ =	shalt  }
0x49: {  	_ =	shalt  }
0x4a: {  	_ =	shalt  }
0x4b: {  	_ =	shalt  }
0x4c: {  	_ =	shalt  }
0x4d: {  	_ =	shalt  }
0x4e: {  	_ =	shalt  }
0x4f: {  	_ =	shalt  }
0x50: {  	_ =	shalt  }
0x51: {  	_ =	shalt  }
0x52: {  	_ =	shalt  }
0x53: {  	_ =	shalt  }
0x54: {  	_ =	shalt  }
0x55: {  	_ =	shalt  }
0x56: {  	_ =	shalt  }
0x57: {  	_ =	shalt  }
0x58: {  	_ =	shalt  }
0x59: {  	_ =	shalt  }
0x5a: {  	_ =	shalt  }
0x5b: {  	_ =	shalt  }
0x5c: {  	_ =	shalt  }
0x5d: {  	_ =	shalt  }
0x5e: {  	_ =	shalt  }
0x5f: {  	_ =	shalt  }
0x60: {  	_ =	shalt  }
0x61: {  	_ =	shalt  }
0x62: {  	_ =	shalt  }
0x63: {  	_ =	shalt  }
0x64: {  	_ =	shalt  }
0x65: {  	_ =	shalt  }
0x66: {  	_ =	shalt  }
0x67: {  	_ =	shalt  }
0x68: {  	_ =	shalt  }
0x69: {  	_ =	shalt  }
0x6a: {  	_ =	shalt  }
0x6b: {  	_ =	shalt  }
0x6c: {  	_ =	shalt  }
0x6d: {  	_ =	shalt  }
0x6e: {  	_ =	shalt  }
0x6f: {  	_ =	shalt  }
0x70: {  	_ =	shalt  }
0x71: {  	_ =	shalt  }
0x72: {  	_ =	shalt  }
0x73: {  	_ =	shalt  }
0x74: {  	_ =	shalt  }
0x75: {  	_ =	shalt  }
0x76: {  	_ =	shalt  }
0x77: {  	_ =	shalt  }
0x78: {  	_ =	shalt  }
0x79: {  	_ =	shalt  }
0x7a: {  	_ =	shalt  }
0x7b: {  	_ =	shalt  }
0x7c: {  	_ =	shalt  }
0x7d: {  	_ =	shalt  }
0x7e: {  	_ =	shalt  }
0x7f: {  	_ =	shalt  }
0x80: {  	_ =	shalt  }
0x81: {  	_ =	shalt  }
0x82: {  	_ =	shalt  }
0x83: {  	_ =	shalt  }
0x84: {  	_ =	shalt  }
0x85: {  	_ =	shalt  }
0x86: {  	_ =	shalt  }
0x87: {  	_ =	shalt  }
.Lfunc_end0:
.L_simem_size_0:
called_computation_lowered:
.L_overlay_start_0:
0x88: {  	s2 =	sld [smem:$0x3FD9]  }
0x89: {  	s3 =	sld [smem:$0x3FFE];
	_ =	sdelay $0x1  }
0x8a: {  	s1 =	srdreg.scid  }
0x8b: {  	s0 =	sand.u32 $0x1, s1  }
0x8c: {  	s17 =	sshll.u32 s0, $0xA;
	s2 =	sadd.s32 s3, s2  }
0x8d: {  	s2 =	sadd.s32 s2, s17  }
0x8e: {  	[smem:$0x3FC6] =	sst s2  }
0x8f: {  	_ = 	snop  }
0x90: {  	s2 =	sld [smem:$0x3FC9]  }
0x91: {  	s18 =	sld [smem:$0x3FD0];
	(tm) =	ssettm $0x1  }
0x92: {  	s4 =	sld [smem:$0x3FFB];
	_ =	sdelay $0x3  }
0x93: {  	_ =	strace s4  }
0x94: {  	s4 =	sld [smem:$0x3FFC];
	_ =	sdelay $0x3  }
0x95: {  	_ =	strace s4  }
0x96: {  	s4 =	sld [smem:$0x3FFD];
	_ =	sdelay $0x3  }
0x97: {  	_ =	strace s4  }
0x98: {  	_ =	strace $0x8FFFFFFF  }
0x99: {  	s19 =	sld [smem:$0x3FDB];
	_ =	sdelay $0x1  }
0x9a: {  	s5 =	simm.s32 $_scs_section_size  }
0x9b: {  	s6 =	simm.s32 $_size__tile_overlayer_lowered;
	s7 =	simm.s32 $_tile_overlayer_lowered  }
0x9c: {  	s22 =	simm.s32 $0x1BFF;
	s21 =	sshll.u32 s7, $0x1;
	s4 =	sadd.s32 s5, s19  }
0x9d: {  	s8 =	simm.s32 $0x0;
	s20 =	sshll.u32 s6, $0x1;
	s6 =	sadd.s32 s21, s4  }
0x9e: {  	[timem:s8], [sflag:s22] =	dma.local [hbm:s6], s20  }
0x9f: {  	_ =	swait.ge [sflag:s22], s20  }
0xa0: {  	s5 =	ssub.s32 $0x0, s20;
	[sflag:s22] =	ssyncset.done $0x0  }
0xa1: {  	[sflag:s22] =	ssyncadd.s32 s5;
	_ =	sdelay $0x1  }
0xa2: {  	s23 =	simm.s32 $0x1B8B  }
0xa3: {  	_ =	swait.ge [sflag:s23], $0x1  }
0xa4: {  	[sflag:s23] =	ssyncset.done $0x0  }
0xa5: {  	s25 =	simm.s32 $0x1B8E;
	s24 =	sld [smem:$0x3FFE];
	[sflag:s23] =	ssyncadd.s32 $0xFFFFFFFF  }
0xa6: {  	s26 =	simm.s32 $execute0_lowered;
	[smem:$0x3FD2] =	sst s25  }
0xa7: {  	s6 =	sshll.u32 s26, $0x1;
	_ =	strace $0x80000046;
	[dreg:$0x1] =	wrdreg $0xFFFFFFFF  }
0xa8: {  	s28 =	simm.s32 $_size_execute0_lowered;
	s4 =	sadd.s32 s4, s6;
	[dreg:$0x0] =	wrdreg $0x0  }
0xa9: {  	s6 =	sshll.u32 s28, $0x1;
	[dreg:$0x2] =	wrdreg s4  }
0xaa: {  	[dreg:$0x3] =	wrdreg s6  }
0xab: {  	[dreg:$0x4] =	wrdreg $0xC0  }
0xac: {  	_ =	task [dreg:s8], $0x5FFFF  }
0xad: {  	[dreg:$0x1] =	wrdreg $0xFFFFFFFF  }
0xae: {  	[dreg:$0x0] =	wrdreg $0x60  }
0xaf: {  	[dreg:$0x2] =	wrdreg s2  }
0xb0: {  	[dreg:$0x3] =	wrdreg s24  }
0xb1: {  	[dreg:$0x4] =	wrdreg s18  }
0xb2: {  	[dreg:$0x5] =	wrdreg $0x9  }
0xb3: {  	_ =	task.clear_ibuf [dreg:s8], $0x6FFFF;
	_ =	strace $0x90000046  }
0xb4: {  	s29 =	simm.s32 $0x9;
	_ =	strace $0x80000048  }
0xb5: {  	_ =	swait.ge [sflag:s29], $0x1  }
0xb6: {  	[sflag:s29] =	ssyncadd.s32 $0xFFFFFFFF  }
0xb7: {  	_ =	strace $0x90000048  }
0xb8: {  	_ =	sfence  }
0xb9: {  	s30 =	sld [smem:$0x0];
	_ =	sdelay $0x2  }
0xba: {  	s31 =	sshll.u32 s1, $0xD;
	s1 =	sshrl.u32 s1, $0x2  }
0xbb: {  	s3 =	sand.u32 $0x4000, s31;
	s1 =	sadd.s32 s1, s30  }
0xbc: {  	s0 =	sor.u32 s3, s0;
	s1 =	sshll.u32 s1, $0x11  }
0xbd: {  	s0 =	sor.u32 s1, s0  }
0xbe: {  	s0 =	sadd.s32 $0x8F2B, s0  }
0xbf: {  	[sflag:s0] =	ssyncadd.remote.s32 $0x1  }
0xc0: {  	_ =	sfence.sel $0xFFFF  }
0xc1: {  	[dreg:$0x0] =	wrdreg $0xFFFFFFFF;
	(pc) =	sbr.abs _section_cstart, $3  }
0xc2: {  	[dreg:$0x1] =	wrdreg $0xFFFFFFFF  }
0xc3: {  	_ =	task.clear_ibuf [dreg:s8], $0x2FFFF;
	_ =	strace $0x9FFFFFFF  }
0xc4: {  	(tm) =	ssettm $0x7FFFFFFF  }
0xc5: {  	_ =	shalt  }
tec
execute0_lowered:
.L_overlay_start_1:
0x0: {  	(tag) =	ssettag $0x1  }
0x1: {  	s0 =	rddreg [dreg:$0x0]  }
0x2: {  	s1 =	srdreg.scid;
	s3 =	rddreg [dreg:$0x1]  }
0x3: {  	s2 =	stileid.u32;
	s4 =	rddreg [dreg:$0x2]  }
0x4: {  	s22 =	simm.s32 $0xA;
	s23 =	simm.s32 $0x80;
	s25 =	simm.s32 $0xC0  }
0x5: {  	s11 =	simm.s32 $0x3200;
	s26 =	simm.s32 $0x100;
	s9 =	simm.s32 $0x4200  }
0x6: {  	s28 =	simm.s32 $0x140;
	s8 =	simm.s32 $0x5200;
	s29 =	simm.s32 $0x180  }
0x7: {  	s7 =	simm.s32 $0x6200;
	s31 =	simm.s32 $0x1C0;
	s30 =	simm.s32 $0x1  }
0x8: {  	s24 =	simm.s32 $0x2;
	s21 =	simm.s32 $0x3;
	p0 =	por $0x0, $0x0  }
0x9: {  	s12 =	simm.s32 $0x8;
	s1 =	sand.u32 $0x1, s1;
	s5 =	sshll.u32 s2, $0xA  }
0xa: {  	s2 =	simm.s32 $0x0;
	s10 =	sadd.s32 $0x400, s3;
	s6 =	sshll.u32 s1, $0x9  }
0xb: {  	[smem:$0x7FF] =	sst s2;
	s1 =	ssub.s32 $0x2, s1;
	s5 =	sor.u32 s6, s5  }
0xc: {  	_ =	strace $0x80000047;
	s18 =	sshrl.u32 s1, $0x1;
	s6 =	sshrl.u32 s5, $0x3  }
0xd: {  	s5 =	sshll.u32 s5, $0x3;
	s1 =	ssub.s32 s1, s18;
	s18 =	simm.s32 $0x5  }
0xe: {  	s0 =	sadd.s32 s0, s6;
	s5 =	sadd.s32 s4, s5;
	s20 =	smax.u32 s1, $0x1  }
0xf: {  	s6 =	simm.s32 $0x7200;
	[dreg:$0x4] =	wrdreg s0;
	s13 =	sadd.s32 $0x200, s5  }
0x10: {  	s4 =	simm.s32 $0x9;
	s14 =	sadd.s32 $0x400, s5;
	[dreg:$0x5] =	wrdreg s13  }
0x11: {  	s15 =	sadd.s32 $0x600, s5;
	s16 =	sadd.s32 $0x800, s5;
	[dreg:$0x6] =	wrdreg s14  }
0x12: {  	s17 =	sadd.s32 $0xA00, s5;
	p1 =	sne.s32 s20, $0x1;
	[dreg:$0x7] =	wrdreg s15  }
.Ltmp0:
0x13: {  	s19 =	sadd.s32 $0xC00, s5;
	[dreg:$0x8] =	wrdreg s16;
	(pc) =	sbr.rel @!p1 .LBB2_3-.Ltmp0, $4  }
0x14: {  	s3 =	sadd.s32 $0xE00, s5;
	s1 =	sadd.s32 $0xFFFFFFFF, s20;
	[dreg:$0x9] =	wrdreg s17  }
0x15: {  	s20 =	simm.s32 $0x4;
	[dreg:$0xa] =	wrdreg s19;
	s19 =	simm.s32 $0x40  }
0x16: {  	s17 =	simm.s32 $0x200;
	s15 =	simm.s32 $0x1200;
	s13 =	simm.s32 $0x2200  }
0x17: {  	s16 =	simm.s32 $0x6;
	s14 =	simm.s32 $0x7;
	s0 =	rddreg [dreg:$0x4]  }
0x18: {  	[tilespmem:s2], [sflag:$0xA] =	stream.linear.gather [hbm4b:s0+s2], $0x200, $0x38;
	[tilespmem:$0x8200] =	vst v63  }
0x19: {  	_ =	swait.ge [sflag:s22], $0x200  }
0x1a: {  	[sflag:s22] =	ssyncset.done $0x0  }
0x1b: {  	[sflag:s22] =	ssyncadd.s32 $0xFFFFFE00  }
0x1c: {  	[tilespmem:s17], [sflag:$0x1] =	stream.indirect.gather [hbm4b:s10+s19], $0x40, s2, s19, $0xb8;
	[tilespmem:$0x8200] =	vst v63  }
0x1d: {  	_ = 	snop  }
0x1e: {  	[tilespmem:s15], [sflag:$0x2] =	stream.indirect.gather [hbm4b:s10+s19], $0x40, s19, s19, $0xb8;
	[tilespmem:$0x8200] =	vst v63  }
0x1f: {  	_ = 	snop  }
0x20: {  	[tilespmem:s13], [sflag:$0x3] =	stream.indirect.gather [hbm4b:s10+s19], $0x40, s23, s19, $0xb8;
	[tilespmem:$0x8200] =	vst v63  }
0x21: {  	_ = 	snop  }
0x22: {  	[tilespmem:s11], [sflag:$0x4] =	stream.indirect.gather [hbm4b:s10+s19], $0x40, s25, s19, $0xb8;
	[tilespmem:$0x8200] =	vst v63  }
0x23: {  	_ = 	snop  }
0x24: {  	[tilespmem:s9], [sflag:$0x5] =	stream.indirect.gather [hbm4b:s10+s19], $0x40, s26, s19, $0xb8;
	[tilespmem:$0x8200] =	vst v63  }
0x25: {  	_ = 	snop  }
0x26: {  	[tilespmem:s8], [sflag:$0x6] =	stream.indirect.gather [hbm4b:s10+s19], $0x40, s28, s19, $0xb8;
	[tilespmem:$0x8200] =	vst v63  }
0x27: {  	_ = 	snop  }
0x28: {  	[tilespmem:s7], [sflag:$0x7] =	stream.indirect.gather [hbm4b:s10+s19], $0x40, s29, s19, $0xb8;
	[tilespmem:$0x8200] =	vst v63  }
0x29: {  	_ = 	snop  }
0x2a: {  	[tilespmem:s6], [sflag:$0x8] =	stream.indirect.gather [hbm4b:s10+s19], $0x40, s31, s19, $0xb8;
	[tilespmem:$0x8200] =	vst v63  }
0x2b: {  	_ =	swait.ge [sflag:s30], $0x1000  }
0x2c: {  	[sflag:s30] =	ssyncset.done $0x0  }
0x2d: {  	[sflag:s30] =	ssyncadd.s32 $0xFFFFF000  }
0x2e: {  	[hbm4b:s5+s2] =	stream.linear.scatter [tilespmem:s17], [sflag:$0x9], $0x1000, $0x38;
	[tilespmem:$0x8200] =	vst v63  }
0x2f: {  	_ =	swait.ge [sflag:s24], $0x1000  }
0x30: {  	[sflag:s24] =	ssyncset.done $0x0  }
0x31: {  	s0 =	rddreg [dreg:$0x5];
	[sflag:s24] =	ssyncadd.s32 $0xFFFFF000  }
0x32: {  	[hbm4b:s0+s2] =	stream.linear.scatter [tilespmem:s15], [sflag:$0x9], $0x1000, $0x38;
	[tilespmem:$0x8200] =	vst v63  }
0x33: {  	_ =	swait.ge [sflag:s21], $0x1000  }
0x34: {  	[sflag:s21] =	ssyncset.done $0x0  }
0x35: {  	s0 =	rddreg [dreg:$0x6];
	[sflag:s21] =	ssyncadd.s32 $0xFFFFF000  }
0x36: {  	[hbm4b:s0+s2] =	stream.linear.scatter [tilespmem:s13], [sflag:$0x9], $0x1000, $0x38;
	[tilespmem:$0x8200] =	vst v63  }
0x37: {  	_ =	swait.ge [sflag:s20], $0x1000  }
0x38: {  	[sflag:s20] =	ssyncset.done $0x0  }
0x39: {  	s0 =	rddreg [dreg:$0x7];
	[sflag:s20] =	ssyncadd.s32 $0xFFFFF000  }
0x3a: {  	[hbm4b:s0+s2] =	stream.linear.scatter [tilespmem:s11], [sflag:$0x9], $0x1000, $0x38;
	[tilespmem:$0x8200] =	vst v63  }
0x3b: {  	_ =	swait.ge [sflag:s18], $0x1000  }
0x3c: {  	[sflag:s18] =	ssyncset.done $0x0  }
0x3d: {  	s0 =	rddreg [dreg:$0x8];
	[sflag:s18] =	ssyncadd.s32 $0xFFFFF000  }
0x3e: {  	[hbm4b:s0+s2] =	stream.linear.scatter [tilespmem:s9], [sflag:$0x9], $0x1000, $0x38;
	[tilespmem:$0x8200] =	vst v63  }
0x3f: {  	_ =	swait.ge [sflag:s16], $0x1000  }
0x40: {  	[sflag:s16] =	ssyncset.done $0x0  }
0x41: {  	s0 =	rddreg [dreg:$0x9];
	[sflag:s16] =	ssyncadd.s32 $0xFFFFF000  }
0x42: {  	[hbm4b:s0+s2] =	stream.linear.scatter [tilespmem:s8], [sflag:$0x9], $0x1000, $0x38;
	[tilespmem:$0x8200] =	vst v63  }
0x43: {  	_ =	swait.ge [sflag:s14], $0x1000  }
0x44: {  	[sflag:s14] =	ssyncset.done $0x0  }
0x45: {  	s0 =	rddreg [dreg:$0xa];
	[sflag:s14] =	ssyncadd.s32 $0xFFFFF000  }
0x46: {  	[hbm4b:s0+s2] =	stream.linear.scatter [tilespmem:s7], [sflag:$0x9], $0x1000, $0x38;
	[tilespmem:$0x8200] =	vst v63  }
0x47: {  	_ =	swait.ge [sflag:s12], $0x1000  }
0x48: {  	[sflag:s12] =	ssyncset.done $0x0  }
0x49: {  	[sflag:s12] =	ssyncadd.s32 $0xFFFFF000  }
0x4a: {  	[hbm4b:s3+s2] =	stream.linear.scatter [tilespmem:s6], [sflag:$0x9], $0x1000, $0x38;
	[tilespmem:$0x8200] =	vst v63  }
0x4b: {  	_ =	swait.ge [sflag:s4], $0x1000  }
0x4c: {  	[sflag:s4] =	ssyncset.done $0x0  }
0x4d: {  	[sflag:s4] =	ssyncadd.s32 $0xFFFFF000  }
0x4e: {  	_ =	swait.ge [sflag:s4], $0x1000  }
0x4f: {  	[sflag:s4] =	ssyncset.done $0x0  }
0x50: {  	[sflag:s4] =	ssyncadd.s32 $0xFFFFF000  }
0x51: {  	_ =	swait.ge [sflag:s4], $0x1000  }
0x52: {  	[sflag:s4] =	ssyncset.done $0x0  }
0x53: {  	[sflag:s4] =	ssyncadd.s32 $0xFFFFF000  }
0x54: {  	_ =	swait.ge [sflag:s4], $0x1000  }
0x55: {  	[sflag:s4] =	ssyncset.done $0x0  }
0x56: {  	[sflag:s4] =	ssyncadd.s32 $0xFFFFF000  }
0x57: {  	_ =	swait.ge [sflag:s4], $0x1000  }
0x58: {  	[sflag:s4] =	ssyncset.done $0x0  }
0x59: {  	[sflag:s4] =	ssyncadd.s32 $0xFFFFF000  }
0x5a: {  	_ =	swait.ge [sflag:s4], $0x1000  }
0x5b: {  	[sflag:s4] =	ssyncset.done $0x0  }
0x5c: {  	p1 =	sne.s32 s1, $0x1;
	[sflag:s4] =	ssyncadd.s32 $0xFFFFF000  }
.Ltmp1:
0x5d: {  	_ =	swait.ge [sflag:s4], $0x1000;
	(pc) =	sbr.rel @!p1 .LBB2_3-.Ltmp1, $4  }
0x5e: {  	[sflag:s4] =	ssyncset.done $0x0  }
0x5f: {  	[sflag:s4] =	ssyncadd.s32 $0xFFFFF000  }
0x60: {  	s1 =	sadd.s32 $0xFFFFFFFF, s1;
	_ =	swait.ge [sflag:s4], $0x1000  }
0x61: {  	p0 =	por $0x1, $0x1;
	s0 =	rddreg [dreg:$0x4];
	[sflag:s4] =	ssyncset.done $0x0  }
.LBB2_2:
0x62: {  	[sflag:s4] =	ssyncadd.s32 $0xFFFFF000  }
0x63: {  	[tilespmem:s2], [sflag:$0xA] =	stream.linear.gather [hbm4b:s0+s2], $0x200, $0x38;
	[tilespmem:$0x8200] =	vst v63  }
0x64: {  	_ =	swait.ge [sflag:s22], $0x200  }
0x65: {  	[sflag:s22] =	ssyncset.done $0x0  }
0x66: {  	[sflag:s22] =	ssyncadd.s32 $0xFFFFFE00  }
0x67: {  	[tilespmem:s17], [sflag:$0x1] =	stream.indirect.gather [hbm4b:s10+s19], $0x40, s2, s19, $0xb8;
	[tilespmem:$0x8200] =	vst v63  }
0x68: {  	_ = 	snop  }
0x69: {  	[tilespmem:s15], [sflag:$0x2] =	stream.indirect.gather [hbm4b:s10+s19], $0x40, s19, s19, $0xb8;
	[tilespmem:$0x8200] =	vst v63  }
0x6a: {  	_ = 	snop  }
0x6b: {  	[tilespmem:s13], [sflag:$0x3] =	stream.indirect.gather [hbm4b:s10+s19], $0x40, s23, s19, $0xb8;
	[tilespmem:$0x8200] =	vst v63  }
0x6c: {  	_ = 	snop  }
0x6d: {  	[tilespmem:s11], [sflag:$0x4] =	stream.indirect.gather [hbm4b:s10+s19], $0x40, s25, s19, $0xb8;
	[tilespmem:$0x8200] =	vst v63  }
0x6e: {  	_ = 	snop  }
0x6f: {  	[tilespmem:s9], [sflag:$0x5] =	stream.indirect.gather [hbm4b:s10+s19], $0x40, s26, s19, $0xb8;
	[tilespmem:$0x8200] =	vst v63  }
0x70: {  	_ = 	snop  }
0x71: {  	[tilespmem:s8], [sflag:$0x6] =	stream.indirect.gather [hbm4b:s10+s19], $0x40, s28, s19, $0xb8;
	[tilespmem:$0x8200] =	vst v63  }
0x72: {  	_ = 	snop  }
0x73: {  	[tilespmem:s7], [sflag:$0x7] =	stream.indirect.gather [hbm4b:s10+s19], $0x40, s29, s19, $0xb8;
	[tilespmem:$0x8200] =	vst v63  }
0x74: {  	_ = 	snop  }
0x75: {  	[tilespmem:s6], [sflag:$0x8] =	stream.indirect.gather [hbm4b:s10+s19], $0x40, s31, s19, $0xb8;
	[tilespmem:$0x8200] =	vst v63  }
0x76: {  	_ =	swait.ge [sflag:s30], $0x1000  }
0x77: {  	[sflag:s30] =	ssyncset.done $0x0  }
0x78: {  	[sflag:s30] =	ssyncadd.s32 $0xFFFFF000  }
0x79: {  	[hbm4b:s5+s2] =	stream.linear.scatter [tilespmem:s17], [sflag:$0x9], $0x1000, $0x38;
	[tilespmem:$0x8200] =	vst v63  }
0x7a: {  	_ =	swait.ge [sflag:s24], $0x1000  }
0x7b: {  	[sflag:s24] =	ssyncset.done $0x0  }
0x7c: {  	s0 =	rddreg [dreg:$0x5];
	[sflag:s24] =	ssyncadd.s32 $0xFFFFF000  }
0x7d: {  	[hbm4b:s0+s2] =	stream.linear.scatter [tilespmem:s15], [sflag:$0x9], $0x1000, $0x38;
	[tilespmem:$0x8200] =	vst v63  }
0x7e: {  	_ =	swait.ge [sflag:s21], $0x1000  }
0x7f: {  	[sflag:s21] =	ssyncset.done $0x0  }
0x80: {  	s0 =	rddreg [dreg:$0x6];
	[sflag:s21] =	ssyncadd.s32 $0xFFFFF000  }
0x81: {  	[hbm4b:s0+s2] =	stream.linear.scatter [tilespmem:s13], [sflag:$0x9], $0x1000, $0x38;
	[tilespmem:$0x8200] =	vst v63  }
0x82: {  	_ =	swait.ge [sflag:s20], $0x1000  }
0x83: {  	[sflag:s20] =	ssyncset.done $0x0  }
0x84: {  	s0 =	rddreg [dreg:$0x7];
	[sflag:s20] =	ssyncadd.s32 $0xFFFFF000  }
0x85: {  	[hbm4b:s0+s2] =	stream.linear.scatter [tilespmem:s11], [sflag:$0x9], $0x1000, $0x38;
	[tilespmem:$0x8200] =	vst v63  }
0x86: {  	_ =	swait.ge [sflag:s18], $0x1000  }
0x87: {  	[sflag:s18] =	ssyncset.done $0x0  }
0x88: {  	s0 =	rddreg [dreg:$0x8];
	[sflag:s18] =	ssyncadd.s32 $0xFFFFF000  }
0x89: {  	[hbm4b:s0+s2] =	stream.linear.scatter [tilespmem:s9], [sflag:$0x9], $0x1000, $0x38;
	[tilespmem:$0x8200] =	vst v63  }
0x8a: {  	_ =	swait.ge [sflag:s16], $0x1000  }
0x8b: {  	[sflag:s16] =	ssyncset.done $0x0  }
0x8c: {  	s0 =	rddreg [dreg:$0x9];
	[sflag:s16] =	ssyncadd.s32 $0xFFFFF000  }
0x8d: {  	[hbm4b:s0+s2] =	stream.linear.scatter [tilespmem:s8], [sflag:$0x9], $0x1000, $0x38;
	[tilespmem:$0x8200] =	vst v63  }
0x8e: {  	_ =	swait.ge [sflag:s14], $0x1000  }
0x8f: {  	[sflag:s14] =	ssyncset.done $0x0  }
0x90: {  	s0 =	rddreg [dreg:$0xa];
	[sflag:s14] =	ssyncadd.s32 $0xFFFFF000  }
0x91: {  	[hbm4b:s0+s2] =	stream.linear.scatter [tilespmem:s7], [sflag:$0x9], $0x1000, $0x38;
	[tilespmem:$0x8200] =	vst v63  }
0x92: {  	_ =	swait.ge [sflag:s12], $0x1000  }
0x93: {  	[sflag:s12] =	ssyncset.done $0x0  }
0x94: {  	[sflag:s12] =	ssyncadd.s32 $0xFFFFF000  }
0x95: {  	[hbm4b:s3+s2] =	stream.linear.scatter [tilespmem:s6], [sflag:$0x9], $0x1000, $0x38;
	[tilespmem:$0x8200] =	vst v63  }
0x96: {  	_ =	swait.ge [sflag:s4], $0x1000  }
0x97: {  	[sflag:s4] =	ssyncset.done $0x0  }
0x98: {  	[sflag:s4] =	ssyncadd.s32 $0xFFFFF000  }
0x99: {  	_ =	swait.ge [sflag:s4], $0x1000  }
0x9a: {  	[sflag:s4] =	ssyncset.done $0x0  }
0x9b: {  	[sflag:s4] =	ssyncadd.s32 $0xFFFFF000  }
0x9c: {  	_ =	swait.ge [sflag:s4], $0x1000  }
0x9d: {  	[sflag:s4] =	ssyncset.done $0x0  }
0x9e: {  	[sflag:s4] =	ssyncadd.s32 $0xFFFFF000  }
0x9f: {  	_ =	swait.ge [sflag:s4], $0x1000  }
0xa0: {  	[sflag:s4] =	ssyncset.done $0x0  }
0xa1: {  	[sflag:s4] =	ssyncadd.s32 $0xFFFFF000  }
0xa2: {  	_ =	swait.ge [sflag:s4], $0x1000  }
0xa3: {  	[sflag:s4] =	ssyncset.done $0x0  }
0xa4: {  	[sflag:s4] =	ssyncadd.s32 $0xFFFFF000  }
0xa5: {  	_ =	swait.ge [sflag:s4], $0x1000  }
0xa6: {  	[sflag:s4] =	ssyncset.done $0x0  }
0xa7: {  	p1 =	sne.s32 s1, $0x1;
	[sflag:s4] =	ssyncadd.s32 $0xFFFFF000  }
.Ltmp2:
0xa8: {  	_ =	swait.ge [sflag:s4], $0x1000;
	(pc) =	sbr.rel @p1 .LBB2_2-.Ltmp2, $4  }
0xa9: {  	[sflag:s4] =	ssyncset.done $0x0  }
0xaa: {  	[sflag:s4] =	ssyncadd.s32 $0xFFFFF000  }
0xab: {  	_ =	swait.ge [sflag:s4], $0x1000  }
0xac: {  	s1 =	sadd.s32 $0xFFFFFFFF, s1;
	s0 =	rddreg [dreg:$0x4];
	[sflag:s4] =	ssyncset.done $0x0  }
.LBB2_3:
0xad: {  	[sflag:s4] =	ssyncadd.s32 @p0 $0xFFFFF000  }
0xae: {  	[tilespmem:s2], [sflag:$0xA] =	stream.linear.gather [hbm4b:s0+s2], $0x200, $0x38;
	[tilespmem:$0x8200] =	vst v63  }
0xaf: {  	_ =	swait.ge [sflag:s22], $0x200  }
0xb0: {  	[sflag:s22] =	ssyncset.done $0x0  }
0xb1: {  	[sflag:s22] =	ssyncadd.s32 $0xFFFFFE00  }
0xb2: {  	[tilespmem:s17], [sflag:$0x1] =	stream.indirect.gather [hbm4b:s10+s19], $0x40, s2, s19, $0xb8;
	[tilespmem:$0x8200] =	vst v63  }
0xb3: {  	_ = 	snop  }
0xb4: {  	[tilespmem:s15], [sflag:$0x2] =	stream.indirect.gather [hbm4b:s10+s19], $0x40, s19, s19, $0xb8;
	[tilespmem:$0x8200] =	vst v63  }
0xb5: {  	_ = 	snop  }
0xb6: {  	[tilespmem:s13], [sflag:$0x3] =	stream.indirect.gather [hbm4b:s10+s19], $0x40, s23, s19, $0xb8;
	[tilespmem:$0x8200] =	vst v63  }
0xb7: {  	_ = 	snop  }
0xb8: {  	[tilespmem:s11], [sflag:$0x4] =	stream.indirect.gather [hbm4b:s10+s19], $0x40, s25, s19, $0xb8;
	[tilespmem:$0x8200] =	vst v63  }
0xb9: {  	_ = 	snop  }
0xba: {  	[tilespmem:s9], [sflag:$0x5] =	stream.indirect.gather [hbm4b:s10+s19], $0x40, s26, s19, $0xb8;
	[tilespmem:$0x8200] =	vst v63  }
0xbb: {  	_ = 	snop  }
0xbc: {  	[tilespmem:s8], [sflag:$0x6] =	stream.indirect.gather [hbm4b:s10+s19], $0x40, s28, s19, $0xb8;
	[tilespmem:$0x8200] =	vst v63  }
0xbd: {  	_ = 	snop  }
0xbe: {  	[tilespmem:s7], [sflag:$0x7] =	stream.indirect.gather [hbm4b:s10+s19], $0x40, s29, s19, $0xb8;
	[tilespmem:$0x8200] =	vst v63  }
0xbf: {  	_ = 	snop  }
0xc0: {  	[tilespmem:s6], [sflag:$0x8] =	stream.indirect.gather [hbm4b:s10+s19], $0x40, s31, s19, $0xb8;
	[tilespmem:$0x8200] =	vst v63  }
0xc1: {  	_ =	swait.ge [sflag:s30], $0x1000  }
0xc2: {  	[sflag:s30] =	ssyncset.done $0x0  }
0xc3: {  	[sflag:s30] =	ssyncadd.s32 $0xFFFFF000  }
0xc4: {  	[hbm4b:s5+s2] =	stream.linear.scatter [tilespmem:s17], [sflag:$0x9], $0x1000, $0x38;
	[tilespmem:$0x8200] =	vst v63  }
0xc5: {  	_ =	swait.ge [sflag:s24], $0x1000  }
0xc6: {  	[sflag:s24] =	ssyncset.done $0x0  }
0xc7: {  	s23 =	rddreg [dreg:$0x5];
	[sflag:s24] =	ssyncadd.s32 $0xFFFFF000  }
0xc8: {  	[hbm4b:s23+s2] =	stream.linear.scatter [tilespmem:s15], [sflag:$0x9], $0x1000, $0x38;
	[tilespmem:$0x8200] =	vst v63  }
0xc9: {  	_ =	swait.ge [sflag:s21], $0x1000  }
0xca: {  	[sflag:s21] =	ssyncset.done $0x0  }
0xcb: {  	s25 =	rddreg [dreg:$0x6];
	[sflag:s21] =	ssyncadd.s32 $0xFFFFF000  }
0xcc: {  	[hbm4b:s25+s2] =	stream.linear.scatter [tilespmem:s13], [sflag:$0x9], $0x1000, $0x38;
	[tilespmem:$0x8200] =	vst v63  }
0xcd: {  	_ =	swait.ge [sflag:s20], $0x1000  }
0xce: {  	[sflag:s20] =	ssyncset.done $0x0  }
0xcf: {  	s26 =	rddreg [dreg:$0x7];
	[sflag:s20] =	ssyncadd.s32 $0xFFFFF000  }
0xd0: {  	[hbm4b:s26+s2] =	stream.linear.scatter [tilespmem:s11], [sflag:$0x9], $0x1000, $0x38;
	[tilespmem:$0x8200] =	vst v63  }
0xd1: {  	_ =	swait.ge [sflag:s18], $0x1000  }
0xd2: {  	[sflag:s18] =	ssyncset.done $0x0  }
0xd3: {  	s28 =	rddreg [dreg:$0x8];
	[sflag:s18] =	ssyncadd.s32 $0xFFFFF000  }
0xd4: {  	[hbm4b:s28+s2] =	stream.linear.scatter [tilespmem:s9], [sflag:$0x9], $0x1000, $0x38;
	[tilespmem:$0x8200] =	vst v63  }
0xd5: {  	_ =	swait.ge [sflag:s16], $0x1000  }
0xd6: {  	[sflag:s16] =	ssyncset.done $0x0  }
0xd7: {  	s29 =	rddreg [dreg:$0x9];
	[sflag:s16] =	ssyncadd.s32 $0xFFFFF000  }
0xd8: {  	[hbm4b:s29+s2] =	stream.linear.scatter [tilespmem:s8], [sflag:$0x9], $0x1000, $0x38;
	[tilespmem:$0x8200] =	vst v63  }
0xd9: {  	_ =	swait.ge [sflag:s14], $0x1000  }
0xda: {  	[sflag:s14] =	ssyncset.done $0x0  }
0xdb: {  	s30 =	rddreg [dreg:$0xa];
	[sflag:s14] =	ssyncadd.s32 $0xFFFFF000  }
0xdc: {  	[hbm4b:s30+s2] =	stream.linear.scatter [tilespmem:s7], [sflag:$0x9], $0x1000, $0x38;
	[tilespmem:$0x8200] =	vst v63  }
0xdd: {  	_ =	swait.ge [sflag:s12], $0x1000  }
0xde: {  	[sflag:s12] =	ssyncset.done $0x0  }
0xdf: {  	[sflag:s12] =	ssyncadd.s32 $0xFFFFF000  }
0xe0: {  	[hbm4b:s3+s2] =	stream.linear.scatter [tilespmem:s6], [sflag:$0x9], $0x1000, $0x38;
	[tilespmem:$0x8200] =	vst v63  }
0xe1: {  	_ =	swait.ge [sflag:s4], $0x1000  }
0xe2: {  	[sflag:s4] =	ssyncset.done $0x0  }
0xe3: {  	[sflag:s4] =	ssyncadd.s32 $0xFFFFF000  }
0xe4: {  	_ =	swait.ge [sflag:s4], $0x1000  }
0xe5: {  	[sflag:s4] =	ssyncset.done $0x0  }
0xe6: {  	[sflag:s4] =	ssyncadd.s32 $0xFFFFF000  }
0xe7: {  	_ =	swait.ge [sflag:s4], $0x1000  }
0xe8: {  	[sflag:s4] =	ssyncset.done $0x0  }
0xe9: {  	[sflag:s4] =	ssyncadd.s32 $0xFFFFF000  }
0xea: {  	_ =	swait.ge [sflag:s4], $0x1000  }
0xeb: {  	[sflag:s4] =	ssyncset.done $0x0  }
0xec: {  	[sflag:s4] =	ssyncadd.s32 $0xFFFFF000  }
0xed: {  	_ =	swait.ge [sflag:s4], $0x1000  }
0xee: {  	[sflag:s4] =	ssyncset.done $0x0  }
0xef: {  	[sflag:s4] =	ssyncadd.s32 $0xFFFFF000  }
0xf0: {  	_ =	swait.ge [sflag:s4], $0x1000  }
0xf1: {  	[sflag:s4] =	ssyncset.done $0x0  }
0xf2: {  	[sflag:s4] =	ssyncadd.s32 $0xFFFFF000  }
0xf3: {  	_ =	swait.ge [sflag:s4], $0x1000  }
0xf4: {  	[sflag:s4] =	ssyncset.done $0x0  }
0xf5: {  	[sflag:s4] =	ssyncadd.s32 $0xFFFFF000  }
0xf6: {  	_ =	swait.ge [sflag:s4], $0x1000  }
0xf7: {  	[sflag:s4] =	ssyncset.done $0x0  }
0xf8: {  	[sflag:s4] =	ssyncadd.s32 $0xFFFFF000  }
0xf9: {  	_ =	sfence.sel $0x180000  }
0xfa: {  	[bflag:$0x0] =	sbarrier.arrive $0xFFFF  }
0xfb: {  	_ =	strace $0x90000047  }
0xfc: {  	s31 =	stileid.u32;
	[bflag:$0x2] =	sbarrier.arrive $0xFFFF  }
0xfd: {  	p0 =	sne.s32 s31, $0x0;
	s0 =	rddreg [dreg:$0x3]  }
0xfe: {  	s0 =	sadd.s32 @!p0 $0x100000, s0  }
0xff: {  	[sflag:s0] =	ssyncadd.tile.s32 @!p0 $0x1;
	_ =	shalt  }
.Lfunc_end2:
_tile_overlayer_lowered:
.L_overlay_start_2:
0x100: {  	(tag) =	ssettag $0x2  }
0x101: {  	s0 =	rddreg [dreg:$0x0];
	s2 =	stileid.u32  }
0x102: {  	s1 =	rddreg [dreg:$0x1];
	p0 =	sne.s32 s2, $0x0  }
0x103: {  	s3 =	rddreg [dreg:$0x2];
	[bflag:$0x3] =	sbarrier.arrive $0xFFFF;
	s2 =	simm.s32 @!p0 $0x1C0A  }
0x104: {  	[timem:s3], [sflag:s2] =	dma.local @!p0 [hbm:s0], s1  }
0x105: {  	s0 =	simm.s32 @!p0 $0xA  }
0x106: {  	_ =	swait.ge @!p0 [sflag:s0], s1  }
0x107: {  	s1 =	ssub.s32 @!p0 $0x0, s1;
	[sflag:s0] =	ssyncset.done @!p0 $0x0  }
0x108: {  	[sflag:s0] =	ssyncadd.s32 @!p0 s1  }
0x109: {  	[bflag:$0x3] =	sbarrier.arrive $0xFFFF  }
0x10a: {  	_ =	shalt  }

</sc_bundles>
